<compile_context>
chip_gen: v7x
topology: tpu7x:2x2x1
jax: 0.10.2.dev20260603
libtpu: 0.0.44.dev20260713+nightly
codegen_flags: <defaults>
</compile_context>

<pallas_src>
import functools

import jax
import jax.numpy as jnp
from jax import lax
from jax.experimental import pallas as pl
from jax.experimental.pallas import tpu as pltpu
from jax.experimental.pallas import tpu_sc as plsc

B, Z, X, Y, C = 16, 16, 64, 64, 32
XS, YS = 20, 20
HALF = 4
K = 9
XP, YP = 24, 24

N_ROI = 5000
NUM_WORKERS = 32
R_PAD = 5120
PER_W = R_PAD // NUM_WORKERS
CHUNK = 32
N_CHUNKS = PER_W // CHUNK
PART = N_ROI % CHUNK


def _sc_body(table, b_in, x_in, y_in, z_in, out, bv, xv, yv, zv, stage, sem):
  nc = 2
  wid = lax.axis_index("s") * nc + lax.axis_index("c")
  base_roi = wid * PER_W

  pltpu.sync_copy(b_in.at[pl.ds(base_roi, PER_W)], bv)
  pltpu.sync_copy(x_in.at[pl.ds(base_roi, PER_W)], xv)
  pltpu.sync_copy(y_in.at[pl.ds(base_roi, PER_W)], yv)
  pltpu.sync_copy(z_in.at[pl.ds(base_roi, PER_W)], zv)

  def chunk_body(c, carry):
    o = c * CHUNK
    start = base_roi + o

    @pl.when(start < N_ROI)
    def _do_chunk():
      halves = []
      for h in range(CHUNK // 16):
        bb = bv[pl.ds(o + 16 * h, 16)]
        xx = xv[pl.ds(o + 16 * h, 16)]
        yy = yv[pl.ds(o + 16 * h, 16)]
        zz = zv[pl.ds(o + 16 * h, 16)]
        halves.append(((bb * Z + zz) * XP + xx, yy))

      copies = [
          pltpu.async_copy(
              table.at[pl.ds(halves[r // 16][0][r % 16], K),
                       pl.ds(halves[r // 16][1][r % 16], K), :],
              stage.at[r], sem)
          for r in range(CHUNK)
      ]
      for cp in copies:
        cp.wait()

      @pl.when(start + CHUNK <= N_ROI)
      def _full_write():
        pltpu.sync_copy(stage, out.at[pl.ds(start, CHUNK)])

      @pl.when(start + CHUNK > N_ROI)
      def _part_write():
        pltpu.sync_copy(stage.at[pl.ds(0, PART)], out.at[pl.ds(start, PART)])

    return carry

  lax.fori_loop(0, N_CHUNKS, chunk_body, jnp.int32(0))


@jax.jit
def kernel(feature3D, roi_indexes):
  sliced = feature3D[:, :, :XS, :YS, :]
  padded = jnp.pad(sliced, ((0, 0), (0, 0), (HALF, XP - XS - HALF),
                            (HALF, YP - YS - HALF), (0, 0)))
  table = padded.reshape(B * Z * XP, YP, C)
  roi = jnp.pad(roi_indexes, ((0, R_PAD - N_ROI), (0, 0)))
  bcol, xcol, ycol, zcol = (roi[:, 0], roi[:, 1], roi[:, 2], roi[:, 3])

  mesh = plsc.VectorSubcoreMesh(core_axis_name="c", subcore_axis_name="s")
  sc_call = functools.partial(
      pl.kernel,
      out_type=jax.ShapeDtypeStruct((N_ROI, K, K, C), jnp.float32),
      mesh=mesh,
      compiler_params=pltpu.CompilerParams(
          needs_layout_passes=False, use_tc_tiling_on_sc=False),
      scratch_types=[
          pltpu.VMEM((PER_W,), jnp.int32),
          pltpu.VMEM((PER_W,), jnp.int32),
          pltpu.VMEM((PER_W,), jnp.int32),
          pltpu.VMEM((PER_W,), jnp.int32),
          pltpu.VMEM((CHUNK, K, K, C), jnp.float32),
          pltpu.SemaphoreType.DMA,
      ],
  )(_sc_body)
  out = sc_call(table, bcol, xcol, ycol, zcol)
  return out.reshape(N_ROI, 1, K, K, C)


if False:  # kernel __main__ guard neutralized (emitter)
  key = jax.random.key(0)
  k1, k2 = jax.random.split(key)
  f = jax.random.normal(k1, (B, Z, X, Y, C), dtype=jnp.float32)
  r = jax.random.randint(k2, (N_ROI, 4), 0, 16, dtype=jnp.int32)
  print(kernel(f, r).shape)

# --- scband reference (transcript-rebuilt; emitter-appended) ---
"""Pipeline reference for scband-crop-roi3-d-51591147159792 (READ-ONLY COPY).

The authoritative reference and input builder live on the scoring server;
editing this copy changes nothing except your own understanding.
"""

import jax, jax.numpy as jnp
import numpy as np

# roi_size = [1, 9, 9, 1] with column order [batch, x, y, z]
# half = [0, 4, 4, 0], offset = [1, 1, 1, 1]
# feature3D axes: [B, Z, X, Y, C]; crop for row (b,x,y,z) is
#   feature3D[b, z:z+1, x-4:x+5, y-4:y+5, :] with zero padding for
#   out-of-bound regions (exactly what the TF layer's tf.pad does).

def setup_inputs(seed: int = 0) -> dict:
    key = jax.random.key(seed)
    k1, k2 = jax.random.split(key)
    feature3D = jax.random.normal(k1, (16, 16, 64, 64, 32), dtype=jnp.float32)
    roi_indexes = jax.random.randint(k2, (5000, 4), 0, 16, dtype=jnp.int32)
    return {"feature3D": feature3D, "roi_indexes": roi_indexes}


def reference(feature3D, roi_indexes):
    C = feature3D.shape[4]
    # Pad so every fixed-size dynamic_slice is in-bounds; zero padding
    # reproduces the TF layer's tf.pad of out-of-volume crop regions.
    # pad per axis = (half, half + offset): Z->(0,1), X->(4,5), Y->(4,5)
    padded = jnp.pad(feature3D, ((0, 0), (0, 1), (4, 5), (4, 5), (0, 0)))

    def crop_one(ri):
        b = ri[0]
        x = ri[1]
        y = ri[2]
        z = ri[3]
        c0 = ri[0] * jnp.int32(0)
        # after left-padding by half, the padded-start equals the raw index
        c = jax.lax.dynamic_slice(padded, (b, z, x, y, c0), (1, 1, 9, 9, C))
        return c[0]  # drop the singleton batch slice -> [1, 9, 9, C]

    crops = jax.vmap(crop_one)(roi_indexes)  # [N, 1, 9, 9, C]
    return crops


if False:  # reference __main__ guard neutralized (emitter)
    inp = setup_inputs()
    out = reference(**inp)
    print(out.shape)

if __name__ == "__main__":
    import jax
    _d = setup_inputs()
    print(jax.jit(kernel)(*tuple(_d.values())))

</pallas_src>

<mosaic_0001>
#map = affine_map<(d0, d1) -> (0, 0, 0)>
#map1 = affine_map<(d0, d1) -> (0)>
#map2 = affine_map<(d0, d1) -> (0, 0, 0, 0)>
module attributes {stable_mosaic.version = 14 : i64} {
  func.func @_sc_body(%arg0: i32, %arg1: i32, %arg2: memref<6144x24x32xf32, #tpu.memory_space<hbm>>, %arg3: memref<5120xi32, #tpu.memory_space<hbm>>, %arg4: memref<5120xi32, #tpu.memory_space<hbm>>, %arg5: memref<5120xi32, #tpu.memory_space<hbm>>, %arg6: memref<5120xi32, #tpu.memory_space<hbm>>, %arg7: memref<5000x9x9x32xf32, #tpu.memory_space<hbm>>, %arg8: memref<160xi32, #tpu.memory_space<vmem>>, %arg9: memref<160xi32, #tpu.memory_space<vmem>>, %arg10: memref<160xi32, #tpu.memory_space<vmem>>, %arg11: memref<160xi32, #tpu.memory_space<vmem>>, %arg12: memref<32x9x9x32xf32, #tpu.memory_space<vmem>>, %arg13: memref<!tpu.dma_semaphore, #tpu.memory_space<semaphore_mem>>) attributes {dimension_semantics = [#tpu.dimension_semantics<core_parallel>, #tpu.dimension_semantics<subcore_parallel>], iteration_bounds = array<i64: 2, 16>, scalar_prefetch = 0 : i64, scratch_operands = 6 : i64, tpu.core_type = #tpu.core_type<sc_vector_subcore>, window_params = [{transform_indices = #map}, {transform_indices = #map1}, {transform_indices = #map1}, {transform_indices = #map1}, {transform_indices = #map1}, {transform_indices = #map2}]} {
    %mul3A = arith.constant 2 : i32
    %mul3A_0 = arith.muli %arg1, %mul3A : i32
    %add3A = arith.addi %mul3A_0, %arg0 : i32
    %mul3A_1 = arith.constant 160 : i32
    %mul3A_2 = arith.muli %add3A, %mul3A_1 : i32
    "tpu.region"() ({
      %run_scoped3A = tpu.sem_alloc : memref<!tpu.dma_semaphore, #tpu.memory_space<semaphore_mem>>
      %dma_start3A = tpu.memref_slice %arg3[%mul3A_2] : memref<5120xi32, #tpu.memory_space<hbm>> -> memref<160xi32, #tpu.memory_space<hbm>>
      %dma_start3A_8 = tpu.memref_slice %arg3[%mul3A_2] : memref<5120xi32, #tpu.memory_space<hbm>> -> memref<160xi32, #tpu.memory_space<hbm>>
      tpu.enqueue_dma source(%dma_start3A_8 : memref<160xi32, #tpu.memory_space<hbm>>) target(%arg8 : memref<160xi32, #tpu.memory_space<vmem>>) target_semaphore(%run_scoped3A : memref<!tpu.dma_semaphore, #tpu.memory_space<semaphore_mem>>)
      %dma_wait3A = tpu.memref_slice %arg3[%mul3A_2] : memref<5120xi32, #tpu.memory_space<hbm>> -> memref<160xi32, #tpu.memory_space<hbm>>
      %dma_wait3A_9 = tpu.memref_slice %arg3[%mul3A_2] : memref<5120xi32, #tpu.memory_space<hbm>> -> memref<160xi32, #tpu.memory_space<hbm>>
      tpu.wait_dma2 semaphore(%run_scoped3A : memref<!tpu.dma_semaphore, #tpu.memory_space<semaphore_mem>>) src(%dma_wait3A_9 : memref<160xi32, #tpu.memory_space<hbm>>) dst(%arg8 : memref<160xi32, #tpu.memory_space<vmem>>)
      tpu.yield
    }) : () -> ()
    "tpu.region"() ({
      %run_scoped3A = tpu.sem_alloc : memref<!tpu.dma_semaphore, #tpu.memory_space<semaphore_mem>>
      %dma_start3A = tpu.memref_slice %arg4[%mul3A_2] : memref<5120xi32, #tpu.memory_space<hbm>> -> memref<160xi32, #tpu.memory_space<hbm>>
      %dma_start3A_8 = tpu.memref_slice %arg4[%mul3A_2] : memref<5120xi32, #tpu.memory_space<hbm>> -> memref<160xi32, #tpu.memory_space<hbm>>
      tpu.enqueue_dma source(%dma_start3A_8 : memref<160xi32, #tpu.memory_space<hbm>>) target(%arg9 : memref<160xi32, #tpu.memory_space<vmem>>) target_semaphore(%run_scoped3A : memref<!tpu.dma_semaphore, #tpu.memory_space<semaphore_mem>>)
      %dma_wait3A = tpu.memref_slice %arg4[%mul3A_2] : memref<5120xi32, #tpu.memory_space<hbm>> -> memref<160xi32, #tpu.memory_space<hbm>>
      %dma_wait3A_9 = tpu.memref_slice %arg4[%mul3A_2] : memref<5120xi32, #tpu.memory_space<hbm>> -> memref<160xi32, #tpu.memory_space<hbm>>
      tpu.wait_dma2 semaphore(%run_scoped3A : memref<!tpu.dma_semaphore, #tpu.memory_space<semaphore_mem>>) src(%dma_wait3A_9 : memref<160xi32, #tpu.memory_space<hbm>>) dst(%arg9 : memref<160xi32, #tpu.memory_space<vmem>>)
      tpu.yield
    }) : () -> ()
    "tpu.region"() ({
      %run_scoped3A = tpu.sem_alloc : memref<!tpu.dma_semaphore, #tpu.memory_space<semaphore_mem>>
      %dma_start3A = tpu.memref_slice %arg5[%mul3A_2] : memref<5120xi32, #tpu.memory_space<hbm>> -> memref<160xi32, #tpu.memory_space<hbm>>
      %dma_start3A_8 = tpu.memref_slice %arg5[%mul3A_2] : memref<5120xi32, #tpu.memory_space<hbm>> -> memref<160xi32, #tpu.memory_space<hbm>>
      tpu.enqueue_dma source(%dma_start3A_8 : memref<160xi32, #tpu.memory_space<hbm>>) target(%arg10 : memref<160xi32, #tpu.memory_space<vmem>>) target_semaphore(%run_scoped3A : memref<!tpu.dma_semaphore, #tpu.memory_space<semaphore_mem>>)
      %dma_wait3A = tpu.memref_slice %arg5[%mul3A_2] : memref<5120xi32, #tpu.memory_space<hbm>> -> memref<160xi32, #tpu.memory_space<hbm>>
      %dma_wait3A_9 = tpu.memref_slice %arg5[%mul3A_2] : memref<5120xi32, #tpu.memory_space<hbm>> -> memref<160xi32, #tpu.memory_space<hbm>>
      tpu.wait_dma2 semaphore(%run_scoped3A : memref<!tpu.dma_semaphore, #tpu.memory_space<semaphore_mem>>) src(%dma_wait3A_9 : memref<160xi32, #tpu.memory_space<hbm>>) dst(%arg10 : memref<160xi32, #tpu.memory_space<vmem>>)
      tpu.yield
    }) : () -> ()
    "tpu.region"() ({
      %run_scoped3A = tpu.sem_alloc : memref<!tpu.dma_semaphore, #tpu.memory_space<semaphore_mem>>
      %dma_start3A = tpu.memref_slice %arg6[%mul3A_2] : memref<5120xi32, #tpu.memory_space<hbm>> -> memref<160xi32, #tpu.memory_space<hbm>>
      %dma_start3A_8 = tpu.memref_slice %arg6[%mul3A_2] : memref<5120xi32, #tpu.memory_space<hbm>> -> memref<160xi32, #tpu.memory_space<hbm>>
      tpu.enqueue_dma source(%dma_start3A_8 : memref<160xi32, #tpu.memory_space<hbm>>) target(%arg11 : memref<160xi32, #tpu.memory_space<vmem>>) target_semaphore(%run_scoped3A : memref<!tpu.dma_semaphore, #tpu.memory_space<semaphore_mem>>)
      %dma_wait3A = tpu.memref_slice %arg6[%mul3A_2] : memref<5120xi32, #tpu.memory_space<hbm>> -> memref<160xi32, #tpu.memory_space<hbm>>
      %dma_wait3A_9 = tpu.memref_slice %arg6[%mul3A_2] : memref<5120xi32, #tpu.memory_space<hbm>> -> memref<160xi32, #tpu.memory_space<hbm>>
      tpu.wait_dma2 semaphore(%run_scoped3A : memref<!tpu.dma_semaphore, #tpu.memory_space<semaphore_mem>>) src(%dma_wait3A_9 : memref<160xi32, #tpu.memory_space<hbm>>) dst(%arg11 : memref<160xi32, #tpu.memory_space<vmem>>)
      tpu.yield
    }) : () -> ()
    %scan3A = arith.constant 0 : i32
    %scan3A_3 = arith.constant 0 : i32
    %scan3A_4 = arith.constant 5 : i32
    %scan3A_5 = arith.addi %scan3A_3, %scan3A_4 : i32
    %scan3A_6 = arith.constant 1 : i32
    scf.for %scan3A_8 = %scan3A_3 to %scan3A_5 step %scan3A_6  : i32 {
      %mul3A_9 = arith.constant 32 : i32
      %mul3A_10 = arith.muli %scan3A_8, %mul3A_9 : i32
      %add3A_11 = arith.addi %mul3A_2, %mul3A_10 : i32
      %lt3A = arith.constant 5000 : i32
      %lt3A_12 = arith.cmpi slt, %add3A_11, %lt3A : i32
      %convert_element_type3A = arith.extui %lt3A_12 : i1 to i32
      %cond3A = arith.constant 0 : i32
      %cond3A_13 = arith.cmpi ne, %convert_element_type3A, %cond3A : i32
      scf.if %cond3A_13 {
        %add3A_14 = arith.constant 0 : i32
        %add3A_15 = arith.addi %mul3A_10, %add3A_14 : i32
        %get3A = arith.index_cast %add3A_15 : i32 to index
        %get3A_16 = tpu.vector_load %arg8[%get3A] {strides = array<i32>} : memref<160xi32, #tpu.memory_space<vmem>>, vector<16xi32>,
        %add3A_17 = arith.constant 0 : i32
        %add3A_18 = arith.addi %mul3A_10, %add3A_17 : i32
        %get3A_19 = arith.index_cast %add3A_18 : i32 to index
        %get3A_20 = tpu.vector_load %arg9[%get3A_19] {strides = array<i32>} : memref<160xi32, #tpu.memory_space<vmem>>, vector<16xi32>,
        %add3A_21 = arith.constant 0 : i32
        %add3A_22 = arith.addi %mul3A_10, %add3A_21 : i32
        %get3A_23 = arith.index_cast %add3A_22 : i32 to index
        %get3A_24 = tpu.vector_load %arg10[%get3A_23] {strides = array<i32>} : memref<160xi32, #tpu.memory_space<vmem>>, vector<16xi32>,
        %add3A_25 = arith.constant 0 : i32
        %add3A_26 = arith.addi %mul3A_10, %add3A_25 : i32
        %get3A_27 = arith.index_cast %add3A_26 : i32 to index
        %get3A_28 = tpu.vector_load %arg11[%get3A_27] {strides = array<i32>} : memref<160xi32, #tpu.memory_space<vmem>>, vector<16xi32>,
        %mul3A_29 = arith.constant 16 : i32
        %mul3A_30 = vector.broadcast %mul3A_29 : i32 to vector<16xi32>
        %mul3A_31 = arith.muli %get3A_16, %mul3A_30 : vector<16xi32>
        %add3A_32 = arith.addi %mul3A_31, %get3A_28 : vector<16xi32>
        %mul3A_33 = arith.constant 24 : i32
        %mul3A_34 = vector.broadcast %mul3A_33 : i32 to vector<16xi32>
        %mul3A_35 = arith.muli %add3A_32, %mul3A_34 : vector<16xi32>
        %add3A_36 = arith.addi %mul3A_35, %get3A_20 : vector<16xi32>
        %add3A_37 = arith.constant 16 : i32
        %add3A_38 = arith.addi %mul3A_10, %add3A_37 : i32
        %get3A_39 = arith.index_cast %add3A_38 : i32 to index
        %get3A_40 = tpu.vector_load %arg8[%get3A_39] {strides = array<i32>} : memref<160xi32, #tpu.memory_space<vmem>>, vector<16xi32>,
        %add3A_41 = arith.constant 16 : i32
        %add3A_42 = arith.addi %mul3A_10, %add3A_41 : i32
        %get3A_43 = arith.index_cast %add3A_42 : i32 to index
        %get3A_44 = tpu.vector_load %arg9[%get3A_43] {strides = array<i32>} : memref<160xi32, #tpu.memory_space<vmem>>, vector<16xi32>,
        %add3A_45 = arith.constant 16 : i32
        %add3A_46 = arith.addi %mul3A_10, %add3A_45 : i32
        %get3A_47 = arith.index_cast %add3A_46 : i32 to index
        %get3A_48 = tpu.vector_load %arg10[%get3A_47] {strides = array<i32>} : memref<160xi32, #tpu.memory_space<vmem>>, vector<16xi32>,
        %add3A_49 = arith.constant 16 : i32
        %add3A_50 = arith.addi %mul3A_10, %add3A_49 : i32
        %get3A_51 = arith.index_cast %add3A_50 : i32 to index
        %get3A_52 = tpu.vector_load %arg11[%get3A_51] {strides = array<i32>} : memref<160xi32, #tpu.memory_space<vmem>>, vector<16xi32>,
        %mul3A_53 = arith.constant 16 : i32
        %mul3A_54 = vector.broadcast %mul3A_53 : i32 to vector<16xi32>
        %mul3A_55 = arith.muli %get3A_40, %mul3A_54 : vector<16xi32>
        %add3A_56 = arith.addi %mul3A_55, %get3A_52 : vector<16xi32>
        %mul3A_57 = arith.constant 24 : i32
        %mul3A_58 = vector.broadcast %mul3A_57 : i32 to vector<16xi32>
        %mul3A_59 = arith.muli %add3A_56, %mul3A_58 : vector<16xi32>
        %add3A_60 = arith.addi %mul3A_59, %get3A_44 : vector<16xi32>
        %slice3A = vector.extract_strided_slice %add3A_36 {offsets = [0], sizes = [1], strides = [1]} : vector<16xi32> to vector<1xi32>
        %squeeze3A = vector.extract %slice3A[0] : i32 from vector<1xi32>
        %slice3A_61 = vector.extract_strided_slice %get3A_24 {offsets = [0], sizes = [1], strides = [1]} : vector<16xi32> to vector<1xi32>
        %squeeze3A_62 = vector.extract %slice3A_61[0] : i32 from vector<1xi32>
        %dma_start3A = arith.constant 0 : i32
        %dma_start3A_63 = arith.constant 0 : i32
        %dma_start3A_64 = arith.constant 0 : i32
        %dma_start3A_65 = arith.constant 0 : i32
        %dma_start3A_66 = tpu.memref_slice %arg12[%dma_start3A, %dma_start3A_63, %dma_start3A_64, %dma_start3A_65] : memref<32x9x9x32xf32, #tpu.memory_space<vmem>> -> memref<1x9x9x32xf32, #tpu.memory_space<vmem>>
        %dma_start3A_67 = tpu.memref_squeeze %dma_start3A_66 : memref<1x9x9x32xf32, #tpu.memory_space<vmem>> -> memref<9x9x32xf32, #tpu.memory_space<vmem>>
        %dma_start3A_68 = arith.constant 0 : i32
        %dma_start3A_69 = tpu.memref_slice %arg2[%squeeze3A, %squeeze3A_62, %dma_start3A_68] : memref<6144x24x32xf32, #tpu.memory_space<hbm>> -> memref<9x9x32xf32, #tpu.memory_space<hbm>>
        %dma_start3A_70 = arith.constant 0 : i32
        %dma_start3A_71 = arith.constant 0 : i32
        %dma_start3A_72 = arith.constant 0 : i32
        %dma_start3A_73 = tpu.memref_slice %arg12[%dma_start3A, %dma_start3A_70, %dma_start3A_71, %dma_start3A_72] : memref<32x9x9x32xf32, #tpu.memory_space<vmem>> -> memref<1x9x9x32xf32, #tpu.memory_space<vmem>>
        %dma_start3A_74 = tpu.memref_squeeze %dma_start3A_73 : memref<1x9x9x32xf32, #tpu.memory_space<vmem>> -> memref<9x9x32xf32, #tpu.memory_space<vmem>>
        %dma_start3A_75 = arith.constant 0 : i32
        %dma_start3A_76 = tpu.memref_slice %arg2[%squeeze3A, %squeeze3A_62, %dma_start3A_75] : memref<6144x24x32xf32, #tpu.memory_space<hbm>> -> memref<9x9x32xf32, #tpu.memory_space<hbm>>
        tpu.enqueue_dma source(%dma_start3A_76 : memref<9x9x32xf32, #tpu.memory_space<hbm>>) target(%dma_start3A_74 : memref<9x9x32xf32, #tpu.memory_space<vmem>>) target_semaphore(%arg13 : memref<!tpu.dma_semaphore, #tpu.memory_space<semaphore_mem>>)
        %slice3A_77 = vector.extract_strided_slice %add3A_36 {offsets = [1], sizes = [1], strides = [1]} : vector<16xi32> to vector<1xi32>
        %squeeze3A_78 = vector.extract %slice3A_77[0] : i32 from vector<1xi32>
        %slice3A_79 = vector.extract_strided_slice %get3A_24 {offsets = [1], sizes = [1], strides = [1]} : vector<16xi32> to vector<1xi32>
        %squeeze3A_80 = vector.extract %slice3A_79[0] : i32 from vector<1xi32>
        %dma_start3A_81 = arith.constant 1 : i32
        %dma_start3A_82 = arith.constant 0 : i32
        %dma_start3A_83 = arith.constant 0 : i32
        %dma_start3A_84 = arith.constant 0 : i32
        %dma_start3A_85 = tpu.memref_slice %arg12[%dma_start3A_81, %dma_start3A_82, %dma_start3A_83, %dma_start3A_84] : memref<32x9x9x32xf32, #tpu.memory_space<vmem>> -> memref<1x9x9x32xf32, #tpu.memory_space<vmem>>
        %dma_start3A_86 = tpu.memref_squeeze %dma_start3A_85 : memref<1x9x9x32xf32, #tpu.memory_space<vmem>> -> memref<9x9x32xf32, #tpu.memory_space<vmem>>
        %dma_start3A_87 = arith.constant 0 : i32
        %dma_start3A_88 = tpu.memref_slice %arg2[%squeeze3A_78, %squeeze3A_80, %dma_start3A_87] : memref<6144x24x32xf32, #tpu.memory_space<hbm>> -> memref<9x9x32xf32, #tpu.memory_space<hbm>>
        %dma_start3A_89 = arith.constant 0 : i32
        %dma_start3A_90 = arith.constant 0 : i32
        %dma_start3A_91 = arith.constant 0 : i32
        %dma_start3A_92 = tpu.memref_slice %arg12[%dma_start3A_81, %dma_start3A_89, %dma_start3A_90, %dma_start3A_91] : memref<32x9x9x32xf32, #tpu.memory_space<vmem>> -> memref<1x9x9x32xf32, #tpu.memory_space<vmem>>
        %dma_start3A_93 = tpu.memref_squeeze %dma_start3A_92 : memref<1x9x9x32xf32, #tpu.memory_space<vmem>> -> memref<9x9x32xf32, #tpu.memory_space<vmem>>
        %dma_start3A_94 = arith.constant 0 : i32
        %dma_start3A_95 = tpu.memref_slice %arg2[%squeeze3A_78, %squeeze3A_80, %dma_start3A_94] : memref<6144x24x32xf32, #tpu.memory_space<hbm>> -> memref<9x9x32xf32, #tpu.memory_space<hbm>>
        tpu.enqueue_dma source(%dma_start3A_95 : memref<9x9x32xf32, #tpu.memory_space<hbm>>) target(%dma_start3A_93 : memref<9x9x32xf32, #tpu.memory_space<vmem>>) target_semaphore(%arg13 : memref<!tpu.dma_semaphore, #tpu.memory_space<semaphore_mem>>)
        %slice3A_96 = vector.extract_strided_slice %add3A_36 {offsets = [2], sizes = [1], strides = [1]} : vector<16xi32> to vector<1xi32>
        %squeeze3A_97 = vector.extract %slice3A_96[0] : i32 from vector<1xi32>
        %slice3A_98 = vector.extract_strided_slice %get3A_24 {offsets = [2], sizes = [1], strides = [1]} : vector<16xi32> to vector<1xi32>
        %squeeze3A_99 = vector.extract %slice3A_98[0] : i32 from vector<1xi32>
        %dma_start3A_100 = arith.constant 2 : i32
        %dma_start3A_101 = arith.constant 0 : i32
        %dma_start3A_102 = arith.constant 0 : i32
        %dma_start3A_103 = arith.constant 0 : i32
        %dma_start3A_104 = tpu.memref_slice %arg12[%dma_start3A_100, %dma_start3A_101, %dma_start3A_102, %dma_start3A_103] : memref<32x9x9x32xf32, #tpu.memory_space<vmem>> -> memref<1x9x9x32xf32, #tpu.memory_space<vmem>>
        %dma_start3A_105 = tpu.memref_squeeze %dma_start3A_104 : memref<1x9x9x32xf32, #tpu.memory_space<vmem>> -> memref<9x9x32xf32, #tpu.memory_space<vmem>>
        %dma_start3A_106 = arith.constant 0 : i32
        %dma_start3A_107 = tpu.memref_slice %arg2[%squeeze3A_97, %squeeze3A_99, %dma_start3A_106] : memref<6144x24x32xf32, #tpu.memory_space<hbm>> -> memref<9x9x32xf32, #tpu.memory_space<hbm>>
        %dma_start3A_108 = arith.constant 0 : i32
        %dma_start3A_109 = arith.constant 0 : i32
        %dma_start3A_110 = arith.constant 0 : i32
        %dma_start3A_111 = tpu.memref_slice %arg12[%dma_start3A_100, %dma_start3A_108, %dma_start3A_109, %dma_start3A_110] : memref<32x9x9x32xf32, #tpu.memory_space<vmem>> -> memref<1x9x9x32xf32, #tpu.memory_space<vmem>>
        %dma_start3A_112 = tpu.memref_squeeze %dma_start3A_111 : memref<1x9x9x32xf32, #tpu.memory_space<vmem>> -> memref<9x9x32xf32, #tpu.memory_space<vmem>>
        %dma_start3A_113 = arith.constant 0 : i32
        %dma_start3A_114 = tpu.memref_slice %arg2[%squeeze3A_97, %squeeze3A_99, %dma_start3A_113] : memref<6144x24x32xf32, #tpu.memory_space<hbm>> -> memref<9x9x32xf32, #tpu.memory_space<hbm>>
        tpu.enqueue_dma source(%dma_start3A_114 : memref<9x9x32xf32, #tpu.memory_space<hbm>>) target(%dma_start3A_112 : memref<9x9x32xf32, #tpu.memory_space<vmem>>) target_semaphore(%arg13 : memref<!tpu.dma_semaphore, #tpu.memory_space<semaphore_mem>>)
        %slice3A_115 = vector.extract_strided_slice %add3A_36 {offsets = [3], sizes = [1], strides = [1]} : vector<16xi32> to vector<1xi32>
        %squeeze3A_116 = vector.extract %slice3A_115[0] : i32 from vector<1xi32>
        %slice3A_117 = vector.extract_strided_slice %get3A_24 {offsets = [3], sizes = [1], strides = [1]} : vector<16xi32> to vector<1xi32>
        %squeeze3A_118 = vector.extract %slice3A_117[0] : i32 from vector<1xi32>
        %dma_start3A_119 = arith.constant 3 : i32
        %dma_start3A_120 = arith.constant 0 : i32
        %dma_start3A_121 = arith.constant 0 : i32
        %dma_start3A_122 = arith.constant 0 : i32
        %dma_start3A_123 = tpu.memref_slice %arg12[%dma_start3A_119, %dma_start3A_120, %dma_start3A_121, %dma_start3A_122] : memref<32x9x9x32xf32, #tpu.memory_space<vmem>> -> memref<1x9x9x32xf32, #tpu.memory_space<vmem>>
        %dma_start3A_124 = tpu.memref_squeeze %dma_start3A_123 : memref<1x9x9x32xf32, #tpu.memory_space<vmem>> -> memref<9x9x32xf32, #tpu.memory_space<vmem>>
        %dma_start3A_125 = arith.constant 0 : i32
        %dma_start3A_126 = tpu.memref_slice %arg2[%squeeze3A_116, %squeeze3A_118, %dma_start3A_125] : memref<6144x24x32xf32, #tpu.memory_space<hbm>> -> memref<9x9x32xf32, #tpu.memory_space<hbm>>
        %dma_start3A_127 = arith.constant 0 : i32
        %dma_start3A_128 = arith.constant 0 : i32
        %dma_start3A_129 = arith.constant 0 : i32
        %dma_start3A_130 = tpu.memref_slice %arg12[%dma_start3A_119, %dma_start3A_127, %dma_start3A_128, %dma_start3A_129] : memref<32x9x9x32xf32, #tpu.memory_space<vmem>> -> memref<1x9x9x32xf32, #tpu.memory_space<vmem>>
        %dma_start3A_131 = tpu.memref_squeeze %dma_start3A_130 : memref<1x9x9x32xf32, #tpu.memory_space<vmem>> -> memref<9x9x32xf32, #tpu.memory_space<vmem>>
        %dma_start3A_132 = arith.constant 0 : i32
        %dma_start3A_133 = tpu.memref_slice %arg2[%squeeze3A_116, %squeeze3A_118, %dma_start3A_132] : memref<6144x24x32xf32, #tpu.memory_space<hbm>> -> memref<9x9x32xf32, #tpu.memory_space<hbm>>
        tpu.enqueue_dma source(%dma_start3A_133 : memref<9x9x32xf32, #tpu.memory_space<hbm>>) target(%dma_start3A_131 : memref<9x9x32xf32, #tpu.memory_space<vmem>>) target_semaphore(%arg13 : memref<!tpu.dma_semaphore, #tpu.memory_space<semaphore_mem>>)
        %slice3A_134 = vector.extract_strided_slice %add3A_36 {offsets = [4], sizes = [1], strides = [1]} : vector<16xi32> to vector<1xi32>
        %squeeze3A_135 = vector.extract %slice3A_134[0] : i32 from vector<1xi32>
        %slice3A_136 = vector.extract_strided_slice %get3A_24 {offsets = [4], sizes = [1], strides = [1]} : vector<16xi32> to vector<1xi32>
        %squeeze3A_137 = vector.extract %slice3A_136[0] : i32 from vector<1xi32>
        %dma_start3A_138 = arith.constant 4 : i32
        %dma_start3A_139 = arith.constant 0 : i32
        %dma_start3A_140 = arith.constant 0 : i32
        %dma_start3A_141 = arith.constant 0 : i32
        %dma_start3A_142 = tpu.memref_slice %arg12[%dma_start3A_138, %dma_start3A_139, %dma_start3A_140, %dma_start3A_141] : memref<32x9x9x32xf32, #tpu.memory_space<vmem>> -> memref<1x9x9x32xf32, #tpu.memory_space<vmem>>
        %dma_start3A_143 = tpu.memref_squeeze %dma_start3A_142 : memref<1x9x9x32xf32, #tpu.memory_space<vmem>> -> memref<9x9x32xf32, #tpu.memory_space<vmem>>
        %dma_start3A_144 = arith.constant 0 : i32
        %dma_start3A_145 = tpu.memref_slice %arg2[%squeeze3A_135, %squeeze3A_137, %dma_start3A_144] : memref<6144x24x32xf32, #tpu.memory_space<hbm>> -> memref<9x9x32xf32, #tpu.memory_space<hbm>>
        %dma_start3A_146 = arith.constant 0 : i32
        %dma_start3A_147 = arith.constant 0 : i32
        %dma_start3A_148 = arith.constant 0 : i32
        %dma_start3A_149 = tpu.memref_slice %arg12[%dma_start3A_138, %dma_start3A_146, %dma_start3A_147, %dma_start3A_148] : memref<32x9x9x32xf32, #tpu.memory_space<vmem>> -> memref<1x9x9x32xf32, #tpu.memory_space<vmem>>
        %dma_start3A_150 = tpu.memref_squeeze %dma_start3A_149 : memref<1x9x9x32xf32, #tpu.memory_space<vmem>> -> memref<9x9x32xf32, #tpu.memory_space<vmem>>
        %dma_start3A_151 = arith.constant 0 : i32
        %dma_start3A_152 = tpu.memref_slice %arg2[%squeeze3A_135, %squeeze3A_137, %dma_start3A_151] : memref<6144x24x32xf32, #tpu.memory_space<hbm>> -> memref<9x9x32xf32, #tpu.memory_space<hbm>>
        tpu.enqueue_dma source(%dma_start3A_152 : memref<9x9x32xf32, #tpu.memory_space<hbm>>) target(%dma_start3A_150 : memref<9x9x32xf32, #tpu.memory_space<vmem>>) target_semaphore(%arg13 : memref<!tpu.dma_semaphore, #tpu.memory_space<semaphore_mem>>)
        %slice3A_153 = vector.extract_strided_slice %add3A_36 {offsets = [5], sizes = [1], strides = [1]} : vector<16xi32> to vector<1xi32>
        %squeeze3A_154 = vector.extract %slice3A_153[0] : i32 from vector<1xi32>
        %slice3A_155 = vector.extract_strided_slice %get3A_24 {offsets = [5], sizes = [1], strides = [1]} : vector<16xi32> to vector<1xi32>
        %squeeze3A_156 = vector.extract %slice3A_155[0] : i32 from vector<1xi32>
        %dma_start3A_157 = arith.constant 5 : i32
        %dma_start3A_158 = arith.constant 0 : i32
        %dma_start3A_159 = arith.constant 0 : i32
        %dma_start3A_160 = arith.constant 0 : i32
        %dma_start3A_161 = tpu.memref_slice %arg12[%dma_start3A_157, %dma_start3A_158, %dma_start3A_159, %dma_start3A_160] : memref<32x9x9x32xf32, #tpu.memory_space<vmem>> -> memref<1x9x9x32xf32, #tpu.memory_space<vmem>>
        %dma_start3A_162 = tpu.memref_squeeze %dma_start3A_161 : memref<1x9x9x32xf32, #tpu.memory_space<vmem>> -> memref<9x9x32xf32, #tpu.memory_space<vmem>>
        %dma_start3A_163 = arith.constant 0 : i32
        %dma_start3A_164 = tpu.memref_slice %arg2[%squeeze3A_154, %squeeze3A_156, %dma_start3A_163] : memref<6144x24x32xf32, #tpu.memory_space<hbm>> -> memref<9x9x32xf32, #tpu.memory_space<hbm>>
        %dma_start3A_165 = arith.constant 0 : i32
        %dma_start3A_166 = arith.constant 0 : i32
        %dma_start3A_167 = arith.constant 0 : i32
        %dma_start3A_168 = tpu.memref_slice %arg12[%dma_start3A_157, %dma_start3A_165, %dma_start3A_166, %dma_start3A_167] : memref<32x9x9x32xf32, #tpu.memory_space<vmem>> -> memref<1x9x9x32xf32, #tpu.memory_space<vmem>>
        %dma_start3A_169 = tpu.memref_squeeze %dma_start3A_168 : memref<1x9x9x32xf32, #tpu.memory_space<vmem>> -> memref<9x9x32xf32, #tpu.memory_space<vmem>>
        %dma_start3A_170 = arith.constant 0 : i32
        %dma_start3A_171 = tpu.memref_slice %arg2[%squeeze3A_154, %squeeze3A_156, %dma_start3A_170] : memref<6144x24x32xf32, #tpu.memory_space<hbm>> -> memref<9x9x32xf32, #tpu.memory_space<hbm>>
        tpu.enqueue_dma source(%dma_start3A_171 : memref<9x9x32xf32, #tpu.memory_space<hbm>>) target(%dma_start3A_169 : memref<9x9x32xf32, #tpu.memory_space<vmem>>) target_semaphore(%arg13 : memref<!tpu.dma_semaphore, #tpu.memory_space<semaphore_mem>>)
        %slice3A_172 = vector.extract_strided_slice %add3A_36 {offsets = [6], sizes = [1], strides = [1]} : vector<16xi32> to vector<1xi32>
        %squeeze3A_173 = vector.extract %slice3A_172[0] : i32 from vector<1xi32>
        %slice3A_174 = vector.extract_strided_slice %get3A_24 {offsets = [6], sizes = [1], strides = [1]} : vector<16xi32> to vector<1xi32>
        %squeeze3A_175 = vector.extract %slice3A_174[0] : i32 from vector<1xi32>
        %dma_start3A_176 = arith.constant 6 : i32
        %dma_start3A_177 = arith.constant 0 : i32
        %dma_start3A_178 = arith.constant 0 : i32
        %dma_start3A_179 = arith.constant 0 : i32
        %dma_start3A_180 = tpu.memref_slice %arg12[%dma_start3A_176, %dma_start3A_177, %dma_start3A_178, %dma_start3A_179] : memref<32x9x9x32xf32, #tpu.memory_space<vmem>> -> memref<1x9x9x32xf32, #tpu.memory_space<vmem>>
        %dma_start3A_181 = tpu.memref_squeeze %dma_start3A_180 : memref<1x9x9x32xf32, #tpu.memory_space<vmem>> -> memref<9x9x32xf32, #tpu.memory_space<vmem>>
        %dma_start3A_182 = arith.constant 0 : i32
        %dma_start3A_183 = tpu.memref_slice %arg2[%squeeze3A_173, %squeeze3A_175, %dma_start3A_182] : memref<6144x24x32xf32, #tpu.memory_space<hbm>> -> memref<9x9x32xf32, #tpu.memory_space<hbm>>
        %dma_start3A_184 = arith.constant 0 : i32
        %dma_start3A_185 = arith.constant 0 : i32
        %dma_start3A_186 = arith.constant 0 : i32
        %dma_start3A_187 = tpu.memref_slice %arg12[%dma_start3A_176, %dma_start3A_184, %dma_start3A_185, %dma_start3A_186] : memref<32x9x9x32xf32, #tpu.memory_space<vmem>> -> memref<1x9x9x32xf32, #tpu.memory_space<vmem>>
        %dma_start3A_188 = tpu.memref_squeeze %dma_start3A_187 : memref<1x9x9x32xf32, #tpu.memory_space<vmem>> -> memref<9x9x32xf32, #tpu.memory_space<vmem>>
        %dma_start3A_189 = arith.constant 0 : i32
        %dma_start3A_190 = tpu.memref_slice %arg2[%squeeze3A_173, %squeeze3A_175, %dma_start3A_189] : memref<6144x24x32xf32, #tpu.memory_space<hbm>> -> memref<9x9x32xf32, #tpu.memory_space<hbm>>
        tpu.enqueue_dma source(%dma_start3A_190 : memref<9x9x32xf32, #tpu.memory_space<hbm>>) target(%dma_start3A_188 : memref<9x9x32xf32, #tpu.memory_space<vmem>>) target_semaphore(%arg13 : memref<!tpu.dma_semaphore, #tpu.memory_space<semaphore_mem>>)
        %slice3A_191 = vector.extract_strided_slice %add3A_36 {offsets = [7], sizes = [1], strides = [1]} : vector<16xi32> to vector<1xi32>
        %squeeze3A_192 = vector.extract %slice3A_191[0] : i32 from vector<1xi32>
        %slice3A_193 = vector.extract_strided_slice %get3A_24 {offsets = [7], sizes = [1], strides = [1]} : vector<16xi32> to vector<1xi32>
        %squeeze3A_194 = vector.extract %slice3A_193[0] : i32 from vector<1xi32>
        %dma_start3A_195 = arith.constant 7 : i32
        %dma_start3A_196 = arith.constant 0 : i32
        %dma_start3A_197 = arith.constant 0 : i32
        %dma_start3A_198 = arith.constant 0 : i32
        %dma_start3A_199 = tpu.memref_slice %arg12[%dma_start3A_195, %dma_start3A_196, %dma_start3A_197, %dma_start3A_198] : memref<32x9x9x32xf32, #tpu.memory_space<vmem>> -> memref<1x9x9x32xf32, #tpu.memory_space<vmem>>
        %dma_start3A_200 = tpu.memref_squeeze %dma_start3A_199 : memref<1x9x9x32xf32, #tpu.memory_space<vmem>> -> memref<9x9x32xf32, #tpu.memory_space<vmem>>
        %dma_start3A_201 = arith.constant 0 : i32
        %dma_start3A_202 = tpu.memref_slice %arg2[%squeeze3A_192, %squeeze3A_194, %dma_start3A_201] : memref<6144x24x32xf32, #tpu.memory_space<hbm>> -> memref<9x9x32xf32, #tpu.memory_space<hbm>>
        %dma_start3A_203 = arith.constant 0 : i32
        %dma_start3A_204 = arith.constant 0 : i32
        %dma_start3A_205 = arith.constant 0 : i32
        %dma_start3A_206 = tpu.memref_slice %arg12[%dma_start3A_195, %dma_start3A_203, %dma_start3A_204, %dma_start3A_205] : memref<32x9x9x32xf32, #tpu.memory_space<vmem>> -> memref<1x9x9x32xf32, #tpu.memory_space<vmem>>
        %dma_start3A_207 = tpu.memref_squeeze %dma_start3A_206 : memref<1x9x9x32xf32, #tpu.memory_space<vmem>> -> memref<9x9x32xf32, #tpu.memory_space<vmem>>
        %dma_start3A_208 = arith.constant 0 : i32
        %dma_start3A_209 = tpu.memref_slice %arg2[%squeeze3A_192, %squeeze3A_194, %dma_start3A_208] : memref<6144x24x32xf32, #tpu.memory_space<hbm>> -> memref<9x9x32xf32, #tpu.memory_space<hbm>>
        tpu.enqueue_dma source(%dma_start3A_209 : memref<9x9x32xf32, #tpu.memory_space<hbm>>) target(%dma_start3A_207 : memref<9x9x32xf32, #tpu.memory_space<vmem>>) target_semaphore(%arg13 : memref<!tpu.dma_semaphore, #tpu.memory_space<semaphore_mem>>)
        %slice3A_210 = vector.extract_strided_slice %add3A_36 {offsets = [8], sizes = [1], strides = [1]} : vector<16xi32> to vector<1xi32>
        %squeeze3A_211 = vector.extract %slice3A_210[0] : i32 from vector<1xi32>
        %slice3A_212 = vector.extract_strided_slice %get3A_24 {offsets = [8], sizes = [1], strides = [1]} : vector<16xi32> to vector<1xi32>
        %squeeze3A_213 = vector.extract %slice3A_212[0] : i32 from vector<1xi32>
        %dma_start3A_214 = arith.constant 8 : i32
        %dma_start3A_215 = arith.constant 0 : i32
        %dma_start3A_216 = arith.constant 0 : i32
        %dma_start3A_217 = arith.constant 0 : i32
        %dma_start3A_218 = tpu.memref_slice %arg12[%dma_start3A_214, %dma_start3A_215, %dma_start3A_216, %dma_start3A_217] : memref<32x9x9x32xf32, #tpu.memory_space<vmem>> -> memref<1x9x9x32xf32, #tpu.memory_space<vmem>>
        %dma_start3A_219 = tpu.memref_squeeze %dma_start3A_218 : memref<1x9x9x32xf32, #tpu.memory_space<vmem>> -> memref<9x9x32xf32, #tpu.memory_space<vmem>>
        %dma_start3A_220 = arith.constant 0 : i32
        %dma_start3A_221 = tpu.memref_slice %arg2[%squeeze3A_211, %squeeze3A_213, %dma_start3A_220] : memref<6144x24x32xf32, #tpu.memory_space<hbm>> -> memref<9x9x32xf32, #tpu.memory_space<hbm>>
        %dma_start3A_222 = arith.constant 0 : i32
        %dma_start3A_223 = arith.constant 0 : i32
        %dma_start3A_224 = arith.constant 0 : i32
        %dma_start3A_225 = tpu.memref_slice %arg12[%dma_start3A_214, %dma_start3A_222, %dma_start3A_223, %dma_start3A_224] : memref<32x9x9x32xf32, #tpu.memory_space<vmem>> -> memref<1x9x9x32xf32, #tpu.memory_space<vmem>>
        %dma_start3A_226 = tpu.memref_squeeze %dma_start3A_225 : memref<1x9x9x32xf32, #tpu.memory_space<vmem>> -> memref<9x9x32xf32, #tpu.memory_space<vmem>>
        %dma_start3A_227 = arith.constant 0 : i32
        %dma_start3A_228 = tpu.memref_slice %arg2[%squeeze3A_211, %squeeze3A_213, %dma_start3A_227] : memref<6144x24x32xf32, #tpu.memory_space<hbm>> -> memref<9x9x32xf32, #tpu.memory_space<hbm>>
        tpu.enqueue_dma source(%dma_start3A_228 : memref<9x9x32xf32, #tpu.memory_space<hbm>>) target(%dma_start3A_226 : memref<9x9x32xf32, #tpu.memory_space<vmem>>) target_semaphore(%arg13 : memref<!tpu.dma_semaphore, #tpu.memory_space<semaphore_mem>>)
        %slice3A_229 = vector.extract_strided_slice %add3A_36 {offsets = [9], sizes = [1], strides = [1]} : vector<16xi32> to vector<1xi32>
        %squeeze3A_230 = vector.extract %slice3A_229[0] : i32 from vector<1xi32>
        %slice3A_231 = vector.extract_strided_slice %get3A_24 {offsets = [9], sizes = [1], strides = [1]} : vector<16xi32> to vector<1xi32>
        %squeeze3A_232 = vector.extract %slice3A_231[0] : i32 from vector<1xi32>
        %dma_start3A_233 = arith.constant 9 : i32
        %dma_start3A_234 = arith.constant 0 : i32
        %dma_start3A_235 = arith.constant 0 : i32
        %dma_start3A_236 = arith.constant 0 : i32
        %dma_start3A_237 = tpu.memref_slice %arg12[%dma_start3A_233, %dma_start3A_234, %dma_start3A_235, %dma_start3A_236] : memref<32x9x9x32xf32, #tpu.memory_space<vmem>> -> memref<1x9x9x32xf32, #tpu.memory_space<vmem>>
        %dma_start3A_238 = tpu.memref_squeeze %dma_start3A_237 : memref<1x9x9x32xf32, #tpu.memory_space<vmem>> -> memref<9x9x32xf32, #tpu.memory_space<vmem>>
        %dma_start3A_239 = arith.constant 0 : i32
        %dma_start3A_240 = tpu.memref_slice %arg2[%squeeze3A_230, %squeeze3A_232, %dma_start3A_239] : memref<6144x24x32xf32, #tpu.memory_space<hbm>> -> memref<9x9x32xf32, #tpu.memory_space<hbm>>
        %dma_start3A_241 = arith.constant 0 : i32
        %dma_start3A_242 = arith.constant 0 : i32
        %dma_start3A_243 = arith.constant 0 : i32
        %dma_start3A_244 = tpu.memref_slice %arg12[%dma_start3A_233, %dma_start3A_241, %dma_start3A_242, %dma_start3A_243] : memref<32x9x9x32xf32, #tpu.memory_space<vmem>> -> memref<1x9x9x32xf32, #tpu.memory_space<vmem>>
        %dma_start3A_245 = tpu.memref_squeeze %dma_start3A_244 : memref<1x9x9x32xf32, #tpu.memory_space<vmem>> -> memref<9x9x32xf32, #tpu.memory_space<vmem>>
        %dma_start3A_246 = arith.constant 0 : i32
        %dma_start3A_247 = tpu.memref_slice %arg2[%squeeze3A_230, %squeeze3A_232, %dma_start3A_246] : memref<6144x24x32xf32, #tpu.memory_space<hbm>> -> memref<9x9x32xf32, #tpu.memory_space<hbm>>
        tpu.enqueue_dma source(%dma_start3A_247 : memref<9x9x32xf32, #tpu.memory_space<hbm>>) target(%dma_start3A_245 : memref<9x9x32xf32, #tpu.memory_space<vmem>>) target_semaphore(%arg13 : memref<!tpu.dma_semaphore, #tpu.memory_space<semaphore_mem>>)
        %slice3A_248 = vector.extract_strided_slice %add3A_36 {offsets = [10], sizes = [1], strides = [1]} : vector<16xi32> to vector<1xi32>
        %squeeze3A_249 = vector.extract %slice3A_248[0] : i32 from vector<1xi32>
        %slice3A_250 = vector.extract_strided_slice %get3A_24 {offsets = [10], sizes = [1], strides = [1]} : vector<16xi32> to vector<1xi32>
        %squeeze3A_251 = vector.extract %slice3A_250[0] : i32 from vector<1xi32>
        %dma_start3A_252 = arith.constant 10 : i32
        %dma_start3A_253 = arith.constant 0 : i32
        %dma_start3A_254 = arith.constant 0 : i32
        %dma_start3A_255 = arith.constant 0 : i32
        %dma_start3A_256 = tpu.memref_slice %arg12[%dma_start3A_252, %dma_start3A_253, %dma_start3A_254, %dma_start3A_255] : memref<32x9x9x32xf32, #tpu.memory_space<vmem>> -> memref<1x9x9x32xf32, #tpu.memory_space<vmem>>
        %dma_start3A_257 = tpu.memref_squeeze %dma_start3A_256 : memref<1x9x9x32xf32, #tpu.memory_space<vmem>> -> memref<9x9x32xf32, #tpu.memory_space<vmem>>
        %dma_start3A_258 = arith.constant 0 : i32
        %dma_start3A_259 = tpu.memref_slice %arg2[%squeeze3A_249, %squeeze3A_251, %dma_start3A_258] : memref<6144x24x32xf32, #tpu.memory_space<hbm>> -> memref<9x9x32xf32, #tpu.memory_space<hbm>>
        %dma_start3A_260 = arith.constant 0 : i32
        %dma_start3A_261 = arith.constant 0 : i32
        %dma_start3A_262 = arith.constant 0 : i32
        %dma_start3A_263 = tpu.memref_slice %arg12[%dma_start3A_252, %dma_start3A_260, %dma_start3A_261, %dma_start3A_262] : memref<32x9x9x32xf32, #tpu.memory_space<vmem>> -> memref<1x9x9x32xf32, #tpu.memory_space<vmem>>
        %dma_start3A_264 = tpu.memref_squeeze %dma_start3A_263 : memref<1x9x9x32xf32, #tpu.memory_space<vmem>> -> memref<9x9x32xf32, #tpu.memory_space<vmem>>
        %dma_start3A_265 = arith.constant 0 : i32
        %dma_start3A_266 = tpu.memref_slice %arg2[%squeeze3A_249, %squeeze3A_251, %dma_start3A_265] : memref<6144x24x32xf32, #tpu.memory_space<hbm>> -> memref<9x9x32xf32, #tpu.memory_space<hbm>>
        tpu.enqueue_dma source(%dma_start3A_266 : memref<9x9x32xf32, #tpu.memory_space<hbm>>) target(%dma_start3A_264 : memref<9x9x32xf32, #tpu.memory_space<vmem>>) target_semaphore(%arg13 : memref<!tpu.dma_semaphore, #tpu.memory_space<semaphore_mem>>)
        %slice3A_267 = vector.extract_strided_slice %add3A_36 {offsets = [11], sizes = [1], strides = [1]} : vector<16xi32> to vector<1xi32>
        %squeeze3A_268 = vector.extract %slice3A_267[0] : i32 from vector<1xi32>
        %slice3A_269 = vector.extract_strided_slice %get3A_24 {offsets = [11], sizes = [1], strides = [1]} : vector<16xi32> to vector<1xi32>
        %squeeze3A_270 = vector.extract %slice3A_269[0] : i32 from vector<1xi32>
        %dma_start3A_271 = arith.constant 11 : i32
        %dma_start3A_272 = arith.constant 0 : i32
        %dma_start3A_273 = arith.constant 0 : i32
        %dma_start3A_274 = arith.constant 0 : i32
        %dma_start3A_275 = tpu.memref_slice %arg12[%dma_start3A_271, %dma_start3A_272, %dma_start3A_273, %dma_start3A_274] : memref<32x9x9x32xf32, #tpu.memory_space<vmem>> -> memref<1x9x9x32xf32, #tpu.memory_space<vmem>>
        %dma_start3A_276 = tpu.memref_squeeze %dma_start3A_275 : memref<1x9x9x32xf32, #tpu.memory_space<vmem>> -> memref<9x9x32xf32, #tpu.memory_space<vmem>>
        %dma_start3A_277 = arith.constant 0 : i32
        %dma_start3A_278 = tpu.memref_slice %arg2[%squeeze3A_268, %squeeze3A_270, %dma_start3A_277] : memref<6144x24x32xf32, #tpu.memory_space<hbm>> -> memref<9x9x32xf32, #tpu.memory_space<hbm>>
        %dma_start3A_279 = arith.constant 0 : i32
        %dma_start3A_280 = arith.constant 0 : i32
        %dma_start3A_281 = arith.constant 0 : i32
        %dma_start3A_282 = tpu.memref_slice %arg12[%dma_start3A_271, %dma_start3A_279, %dma_start3A_280, %dma_start3A_281] : memref<32x9x9x32xf32, #tpu.memory_space<vmem>> -> memref<1x9x9x32xf32, #tpu.memory_space<vmem>>
        %dma_start3A_283 = tpu.memref_squeeze %dma_start3A_282 : memref<1x9x9x32xf32, #tpu.memory_space<vmem>> -> memref<9x9x32xf32, #tpu.memory_space<vmem>>
        %dma_start3A_284 = arith.constant 0 : i32
        %dma_start3A_285 = tpu.memref_slice %arg2[%squeeze3A_268, %squeeze3A_270, %dma_start3A_284] : memref<6144x24x32xf32, #tpu.memory_space<hbm>> -> memref<9x9x32xf32, #tpu.memory_space<hbm>>
        tpu.enqueue_dma source(%dma_start3A_285 : memref<9x9x32xf32, #tpu.memory_space<hbm>>) target(%dma_start3A_283 : memref<9x9x32xf32, #tpu.memory_space<vmem>>) target_semaphore(%arg13 : memref<!tpu.dma_semaphore, #tpu.memory_space<semaphore_mem>>)
        %slice3A_286 = vector.extract_strided_slice %add3A_36 {offsets = [12], sizes = [1], strides = [1]} : vector<16xi32> to vector<1xi32>
        %squeeze3A_287 = vector.extract %slice3A_286[0] : i32 from vector<1xi32>
        %slice3A_288 = vector.extract_strided_slice %get3A_24 {offsets = [12], sizes = [1], strides = [1]} : vector<16xi32> to vector<1xi32>
        %squeeze3A_289 = vector.extract %slice3A_288[0] : i32 from vector<1xi32>
        %dma_start3A_290 = arith.constant 12 : i32
        %dma_start3A_291 = arith.constant 0 : i32
        %dma_start3A_292 = arith.constant 0 : i32
        %dma_start3A_293 = arith.constant 0 : i32
        %dma_start3A_294 = tpu.memref_slice %arg12[%dma_start3A_290, %dma_start3A_291, %dma_start3A_292, %dma_start3A_293] : memref<32x9x9x32xf32, #tpu.memory_space<vmem>> -> memref<1x9x9x32xf32, #tpu.memory_space<vmem>>
        %dma_start3A_295 = tpu.memref_squeeze %dma_start3A_294 : memref<1x9x9x32xf32, #tpu.memory_space<vmem>> -> memref<9x9x32xf32, #tpu.memory_space<vmem>>
        %dma_start3A_296 = arith.constant 0 : i32
        %dma_start3A_297 = tpu.memref_slice %arg2[%squeeze3A_287, %squeeze3A_289, %dma_start3A_296] : memref<6144x24x32xf32, #tpu.memory_space<hbm>> -> memref<9x9x32xf32, #tpu.memory_space<hbm>>
        %dma_start3A_298 = arith.constant 0 : i32
        %dma_start3A_299 = arith.constant 0 : i32
        %dma_start3A_300 = arith.constant 0 : i32
        %dma_start3A_301 = tpu.memref_slice %arg12[%dma_start3A_290, %dma_start3A_298, %dma_start3A_299, %dma_start3A_300] : memref<32x9x9x32xf32, #tpu.memory_space<vmem>> -> memref<1x9x9x32xf32, #tpu.memory_space<vmem>>
        %dma_start3A_302 = tpu.memref_squeeze %dma_start3A_301 : memref<1x9x9x32xf32, #tpu.memory_space<vmem>> -> memref<9x9x32xf32, #tpu.memory_space<vmem>>
        %dma_start3A_303 = arith.constant 0 : i32
        %dma_start3A_304 = tpu.memref_slice %arg2[%squeeze3A_287, %squeeze3A_289, %dma_start3A_303] : memref<6144x24x32xf32, #tpu.memory_space<hbm>> -> memref<9x9x32xf32, #tpu.memory_space<hbm>>
        tpu.enqueue_dma source(%dma_start3A_304 : memref<9x9x32xf32, #tpu.memory_space<hbm>>) target(%dma_start3A_302 : memref<9x9x32xf32, #tpu.memory_space<vmem>>) target_semaphore(%arg13 : memref<!tpu.dma_semaphore, #tpu.memory_space<semaphore_mem>>)
        %slice3A_305 = vector.extract_strided_slice %add3A_36 {offsets = [13], sizes = [1], strides = [1]} : vector<16xi32> to vector<1xi32>
        %squeeze3A_306 = vector.extract %slice3A_305[0] : i32 from vector<1xi32>
        %slice3A_307 = vector.extract_strided_slice %get3A_24 {offsets = [13], sizes = [1], strides = [1]} : vector<16xi32> to vector<1xi32>
        %squeeze3A_308 = vector.extract %slice3A_307[0] : i32 from vector<1xi32>
        %dma_start3A_309 = arith.constant 13 : i32
        %dma_start3A_310 = arith.constant 0 : i32
        %dma_start3A_311 = arith.constant 0 : i32
        %dma_start3A_312 = arith.constant 0 : i32
        %dma_start3A_313 = tpu.memref_slice %arg12[%dma_start3A_309, %dma_start3A_310, %dma_start3A_311, %dma_start3A_312] : memref<32x9x9x32xf32, #tpu.memory_space<vmem>> -> memref<1x9x9x32xf32, #tpu.memory_space<vmem>>
        %dma_start3A_314 = tpu.memref_squeeze %dma_start3A_313 : memref<1x9x9x32xf32, #tpu.memory_space<vmem>> -> memref<9x9x32xf32, #tpu.memory_space<vmem>>
        %dma_start3A_315 = arith.constant 0 : i32
        %dma_start3A_316 = tpu.memref_slice %arg2[%squeeze3A_306, %squeeze3A_308, %dma_start3A_315] : memref<6144x24x32xf32, #tpu.memory_space<hbm>> -> memref<9x9x32xf32, #tpu.memory_space<hbm>>
        %dma_start3A_317 = arith.constant 0 : i32
        %dma_start3A_318 = arith.constant 0 : i32
        %dma_start3A_319 = arith.constant 0 : i32
        %dma_start3A_320 = tpu.memref_slice %arg12[%dma_start3A_309, %dma_start3A_317, %dma_start3A_318, %dma_start3A_319] : memref<32x9x9x32xf32, #tpu.memory_space<vmem>> -> memref<1x9x9x32xf32, #tpu.memory_space<vmem>>
        %dma_start3A_321 = tpu.memref_squeeze %dma_start3A_320 : memref<1x9x9x32xf32, #tpu.memory_space<vmem>> -> memref<9x9x32xf32, #tpu.memory_space<vmem>>
        %dma_start3A_322 = arith.constant 0 : i32
        %dma_start3A_323 = tpu.memref_slice %arg2[%squeeze3A_306, %squeeze3A_308, %dma_start3A_322] : memref<6144x24x32xf32, #tpu.memory_space<hbm>> -> memref<9x9x32xf32, #tpu.memory_space<hbm>>
        tpu.enqueue_dma source(%dma_start3A_323 : memref<9x9x32xf32, #tpu.memory_space<hbm>>) target(%dma_start3A_321 : memref<9x9x32xf32, #tpu.memory_space<vmem>>) target_semaphore(%arg13 : memref<!tpu.dma_semaphore, #tpu.memory_space<semaphore_mem>>)
        %slice3A_324 = vector.extract_strided_slice %add3A_36 {offsets = [14], sizes = [1], strides = [1]} : vector<16xi32> to vector<1xi32>
        %squeeze3A_325 = vector.extract %slice3A_324[0] : i32 from vector<1xi32>
        %slice3A_326 = vector.extract_strided_slice %get3A_24 {offsets = [14], sizes = [1], strides = [1]} : vector<16xi32> to vector<1xi32>
        %squeeze3A_327 = vector.extract %slice3A_326[0] : i32 from vector<1xi32>
        %dma_start3A_328 = arith.constant 14 : i32
        %dma_start3A_329 = arith.constant 0 : i32
        %dma_start3A_330 = arith.constant 0 : i32
        %dma_start3A_331 = arith.constant 0 : i32
        %dma_start3A_332 = tpu.memref_slice %arg12[%dma_start3A_328, %dma_start3A_329, %dma_start3A_330, %dma_start3A_331] : memref<32x9x9x32xf32, #tpu.memory_space<vmem>> -> memref<1x9x9x32xf32, #tpu.memory_space<vmem>>
        %dma_start3A_333 = tpu.memref_squeeze %dma_start3A_332 : memref<1x9x9x32xf32, #tpu.memory_space<vmem>> -> memref<9x9x32xf32, #tpu.memory_space<vmem>>
        %dma_start3A_334 = arith.constant 0 : i32
        %dma_start3A_335 = tpu.memref_slice %arg2[%squeeze3A_325, %squeeze3A_327, %dma_start3A_334] : memref<6144x24x32xf32, #tpu.memory_space<hbm>> -> memref<9x9x32xf32, #tpu.memory_space<hbm>>
        %dma_start3A_336 = arith.constant 0 : i32
        %dma_start3A_337 = arith.constant 0 : i32
        %dma_start3A_338 = arith.constant 0 : i32
        %dma_start3A_339 = tpu.memref_slice %arg12[%dma_start3A_328, %dma_start3A_336, %dma_start3A_337, %dma_start3A_338] : memref<32x9x9x32xf32, #tpu.memory_space<vmem>> -> memref<1x9x9x32xf32, #tpu.memory_space<vmem>>
        %dma_start3A_340 = tpu.memref_squeeze %dma_start3A_339 : memref<1x9x9x32xf32, #tpu.memory_space<vmem>> -> memref<9x9x32xf32, #tpu.memory_space<vmem>>
        %dma_start3A_341 = arith.constant 0 : i32
        %dma_start3A_342 = tpu.memref_slice %arg2[%squeeze3A_325, %squeeze3A_327, %dma_start3A_341] : memref<6144x24x32xf32, #tpu.memory_space<hbm>> -> memref<9x9x32xf32, #tpu.memory_space<hbm>>
        tpu.enqueue_dma source(%dma_start3A_342 : memref<9x9x32xf32, #tpu.memory_space<hbm>>) target(%dma_start3A_340 : memref<9x9x32xf32, #tpu.memory_space<vmem>>) target_semaphore(%arg13 : memref<!tpu.dma_semaphore, #tpu.memory_space<semaphore_mem>>)
        %slice3A_343 = vector.extract_strided_slice %add3A_36 {offsets = [15], sizes = [1], strides = [1]} : vector<16xi32> to vector<1xi32>
        %squeeze3A_344 = vector.extract %slice3A_343[0] : i32 from vector<1xi32>
        %slice3A_345 = vector.extract_strided_slice %get3A_24 {offsets = [15], sizes = [1], strides = [1]} : vector<16xi32> to vector<1xi32>
        %squeeze3A_346 = vector.extract %slice3A_345[0] : i32 from vector<1xi32>
        %dma_start3A_347 = arith.constant 15 : i32
        %dma_start3A_348 = arith.constant 0 : i32
        %dma_start3A_349 = arith.constant 0 : i32
        %dma_start3A_350 = arith.constant 0 : i32
        %dma_start3A_351 = tpu.memref_slice %arg12[%dma_start3A_347, %dma_start3A_348, %dma_start3A_349, %dma_start3A_350] : memref<32x9x9x32xf32, #tpu.memory_space<vmem>> -> memref<1x9x9x32xf32, #tpu.memory_space<vmem>>
        %dma_start3A_352 = tpu.memref_squeeze %dma_start3A_351 : memref<1x9x9x32xf32, #tpu.memory_space<vmem>> -> memref<9x9x32xf32, #tpu.memory_space<vmem>>
        %dma_start3A_353 = arith.constant 0 : i32
        %dma_start3A_354 = tpu.memref_slice %arg2[%squeeze3A_344, %squeeze3A_346, %dma_start3A_353] : memref<6144x24x32xf32, #tpu.memory_space<hbm>> -> memref<9x9x32xf32, #tpu.memory_space<hbm>>
        %dma_start3A_355 = arith.constant 0 : i32
        %dma_start3A_356 = arith.constant 0 : i32
        %dma_start3A_357 = arith.constant 0 : i32
        %dma_start3A_358 = tpu.memref_slice %arg12[%dma_start3A_347, %dma_start3A_355, %dma_start3A_356, %dma_start3A_357] : memref<32x9x9x32xf32, #tpu.memory_space<vmem>> -> memref<1x9x9x32xf32, #tpu.memory_space<vmem>>
        %dma_start3A_359 = tpu.memref_squeeze %dma_start3A_358 : memref<1x9x9x32xf32, #tpu.memory_space<vmem>> -> memref<9x9x32xf32, #tpu.memory_space<vmem>>
        %dma_start3A_360 = arith.constant 0 : i32
        %dma_start3A_361 = tpu.memref_slice %arg2[%squeeze3A_344, %squeeze3A_346, %dma_start3A_360] : memref<6144x24x32xf32, #tpu.memory_space<hbm>> -> memref<9x9x32xf32, #tpu.memory_space<hbm>>
        tpu.enqueue_dma source(%dma_start3A_361 : memref<9x9x32xf32, #tpu.memory_space<hbm>>) target(%dma_start3A_359 : memref<9x9x32xf32, #tpu.memory_space<vmem>>) target_semaphore(%arg13 : memref<!tpu.dma_semaphore, #tpu.memory_space<semaphore_mem>>)
        %slice3A_362 = vector.extract_strided_slice %add3A_60 {offsets = [0], sizes = [1], strides = [1]} : vector<16xi32> to vector<1xi32>
        %squeeze3A_363 = vector.extract %slice3A_362[0] : i32 from vector<1xi32>
        %slice3A_364 = vector.extract_strided_slice %get3A_48 {offsets = [0], sizes = [1], strides = [1]} : vector<16xi32> to vector<1xi32>
        %squeeze3A_365 = vector.extract %slice3A_364[0] : i32 from vector<1xi32>
        %dma_start3A_366 = arith.constant 16 : i32
        %dma_start3A_367 = arith.constant 0 : i32
        %dma_start3A_368 = arith.constant 0 : i32
        %dma_start3A_369 = arith.constant 0 : i32
        %dma_start3A_370 = tpu.memref_slice %arg12[%dma_start3A_366, %dma_start3A_367, %dma_start3A_368, %dma_start3A_369] : memref<32x9x9x32xf32, #tpu.memory_space<vmem>> -> memref<1x9x9x32xf32, #tpu.memory_space<vmem>>
        %dma_start3A_371 = tpu.memref_squeeze %dma_start3A_370 : memref<1x9x9x32xf32, #tpu.memory_space<vmem>> -> memref<9x9x32xf32, #tpu.memory_space<vmem>>
        %dma_start3A_372 = arith.constant 0 : i32
        %dma_start3A_373 = tpu.memref_slice %arg2[%squeeze3A_363, %squeeze3A_365, %dma_start3A_372] : memref<6144x24x32xf32, #tpu.memory_space<hbm>> -> memref<9x9x32xf32, #tpu.memory_space<hbm>>
        %dma_start3A_374 = arith.constant 0 : i32
        %dma_start3A_375 = arith.constant 0 : i32
        %dma_start3A_376 = arith.constant 0 : i32
        %dma_start3A_377 = tpu.memref_slice %arg12[%dma_start3A_366, %dma_start3A_374, %dma_start3A_375, %dma_start3A_376] : memref<32x9x9x32xf32, #tpu.memory_space<vmem>> -> memref<1x9x9x32xf32, #tpu.memory_space<vmem>>
        %dma_start3A_378 = tpu.memref_squeeze %dma_start3A_377 : memref<1x9x9x32xf32, #tpu.memory_space<vmem>> -> memref<9x9x32xf32, #tpu.memory_space<vmem>>
        %dma_start3A_379 = arith.constant 0 : i32
        %dma_start3A_380 = tpu.memref_slice %arg2[%squeeze3A_363, %squeeze3A_365, %dma_start3A_379] : memref<6144x24x32xf32, #tpu.memory_space<hbm>> -> memref<9x9x32xf32, #tpu.memory_space<hbm>>
        tpu.enqueue_dma source(%dma_start3A_380 : memref<9x9x32xf32, #tpu.memory_space<hbm>>) target(%dma_start3A_378 : memref<9x9x32xf32, #tpu.memory_space<vmem>>) target_semaphore(%arg13 : memref<!tpu.dma_semaphore, #tpu.memory_space<semaphore_mem>>)
        %slice3A_381 = vector.extract_strided_slice %add3A_60 {offsets = [1], sizes = [1], strides = [1]} : vector<16xi32> to vector<1xi32>
        %squeeze3A_382 = vector.extract %slice3A_381[0] : i32 from vector<1xi32>
        %slice3A_383 = vector.extract_strided_slice %get3A_48 {offsets = [1], sizes = [1], strides = [1]} : vector<16xi32> to vector<1xi32>
        %squeeze3A_384 = vector.extract %slice3A_383[0] : i32 from vector<1xi32>
        %dma_start3A_385 = arith.constant 17 : i32
        %dma_start3A_386 = arith.constant 0 : i32
        %dma_start3A_387 = arith.constant 0 : i32
        %dma_start3A_388 = arith.constant 0 : i32
        %dma_start3A_389 = tpu.memref_slice %arg12[%dma_start3A_385, %dma_start3A_386, %dma_start3A_387, %dma_start3A_388] : memref<32x9x9x32xf32, #tpu.memory_space<vmem>> -> memref<1x9x9x32xf32, #tpu.memory_space<vmem>>
        %dma_start3A_390 = tpu.memref_squeeze %dma_start3A_389 : memref<1x9x9x32xf32, #tpu.memory_space<vmem>> -> memref<9x9x32xf32, #tpu.memory_space<vmem>>
        %dma_start3A_391 = arith.constant 0 : i32
        %dma_start3A_392 = tpu.memref_slice %arg2[%squeeze3A_382, %squeeze3A_384, %dma_start3A_391] : memref<6144x24x32xf32, #tpu.memory_space<hbm>> -> memref<9x9x32xf32, #tpu.memory_space<hbm>>
        %dma_start3A_393 = arith.constant 0 : i32
        %dma_start3A_394 = arith.constant 0 : i32
        %dma_start3A_395 = arith.constant 0 : i32
        %dma_start3A_396 = tpu.memref_slice %arg12[%dma_start3A_385, %dma_start3A_393, %dma_start3A_394, %dma_start3A_395] : memref<32x9x9x32xf32, #tpu.memory_space<vmem>> -> memref<1x9x9x32xf32, #tpu.memory_space<vmem>>
        %dma_start3A_397 = tpu.memref_squeeze %dma_start3A_396 : memref<1x9x9x32xf32, #tpu.memory_space<vmem>> -> memref<9x9x32xf32, #tpu.memory_space<vmem>>
        %dma_start3A_398 = arith.constant 0 : i32
        %dma_start3A_399 = tpu.memref_slice %arg2[%squeeze3A_382, %squeeze3A_384, %dma_start3A_398] : memref<6144x24x32xf32, #tpu.memory_space<hbm>> -> memref<9x9x32xf32, #tpu.memory_space<hbm>>
        tpu.enqueue_dma source(%dma_start3A_399 : memref<9x9x32xf32, #tpu.memory_space<hbm>>) target(%dma_start3A_397 : memref<9x9x32xf32, #tpu.memory_space<vmem>>) target_semaphore(%arg13 : memref<!tpu.dma_semaphore, #tpu.memory_space<semaphore_mem>>)
        %slice3A_400 = vector.extract_strided_slice %add3A_60 {offsets = [2], sizes = [1], strides = [1]} : vector<16xi32> to vector<1xi32>
        %squeeze3A_401 = vector.extract %slice3A_400[0] : i32 from vector<1xi32>
        %slice3A_402 = vector.extract_strided_slice %get3A_48 {offsets = [2], sizes = [1], strides = [1]} : vector<16xi32> to vector<1xi32>
        %squeeze3A_403 = vector.extract %slice3A_402[0] : i32 from vector<1xi32>
        %dma_start3A_404 = arith.constant 18 : i32
        %dma_start3A_405 = arith.constant 0 : i32
        %dma_start3A_406 = arith.constant 0 : i32
        %dma_start3A_407 = arith.constant 0 : i32
        %dma_start3A_408 = tpu.memref_slice %arg12[%dma_start3A_404, %dma_start3A_405, %dma_start3A_406, %dma_start3A_407] : memref<32x9x9x32xf32, #tpu.memory_space<vmem>> -> memref<1x9x9x32xf32, #tpu.memory_space<vmem>>
        %dma_start3A_409 = tpu.memref_squeeze %dma_start3A_408 : memref<1x9x9x32xf32, #tpu.memory_space<vmem>> -> memref<9x9x32xf32, #tpu.memory_space<vmem>>
        %dma_start3A_410 = arith.constant 0 : i32
        %dma_start3A_411 = tpu.memref_slice %arg2[%squeeze3A_401, %squeeze3A_403, %dma_start3A_410] : memref<6144x24x32xf32, #tpu.memory_space<hbm>> -> memref<9x9x32xf32, #tpu.memory_space<hbm>>
        %dma_start3A_412 = arith.constant 0 : i32
        %dma_start3A_413 = arith.constant 0 : i32
        %dma_start3A_414 = arith.constant 0 : i32
        %dma_start3A_415 = tpu.memref_slice %arg12[%dma_start3A_404, %dma_start3A_412, %dma_start3A_413, %dma_start3A_414] : memref<32x9x9x32xf32, #tpu.memory_space<vmem>> -> memref<1x9x9x32xf32, #tpu.memory_space<vmem>>
        %dma_start3A_416 = tpu.memref_squeeze %dma_start3A_415 : memref<1x9x9x32xf32, #tpu.memory_space<vmem>> -> memref<9x9x32xf32, #tpu.memory_space<vmem>>
        %dma_start3A_417 = arith.constant 0 : i32
        %dma_start3A_418 = tpu.memref_slice %arg2[%squeeze3A_401, %squeeze3A_403, %dma_start3A_417] : memref<6144x24x32xf32, #tpu.memory_space<hbm>> -> memref<9x9x32xf32, #tpu.memory_space<hbm>>
        tpu.enqueue_dma source(%dma_start3A_418 : memref<9x9x32xf32, #tpu.memory_space<hbm>>) target(%dma_start3A_416 : memref<9x9x32xf32, #tpu.memory_space<vmem>>) target_semaphore(%arg13 : memref<!tpu.dma_semaphore, #tpu.memory_space<semaphore_mem>>)
        %slice3A_419 = vector.extract_strided_slice %add3A_60 {offsets = [3], sizes = [1], strides = [1]} : vector<16xi32> to vector<1xi32>
        %squeeze3A_420 = vector.extract %slice3A_419[0] : i32 from vector<1xi32>
        %slice3A_421 = vector.extract_strided_slice %get3A_48 {offsets = [3], sizes = [1], strides = [1]} : vector<16xi32> to vector<1xi32>
        %squeeze3A_422 = vector.extract %slice3A_421[0] : i32 from vector<1xi32>
        %dma_start3A_423 = arith.constant 19 : i32
        %dma_start3A_424 = arith.constant 0 : i32
        %dma_start3A_425 = arith.constant 0 : i32
        %dma_start3A_426 = arith.constant 0 : i32
        %dma_start3A_427 = tpu.memref_slice %arg12[%dma_start3A_423, %dma_start3A_424, %dma_start3A_425, %dma_start3A_426] : memref<32x9x9x32xf32, #tpu.memory_space<vmem>> -> memref<1x9x9x32xf32, #tpu.memory_space<vmem>>
        %dma_start3A_428 = tpu.memref_squeeze %dma_start3A_427 : memref<1x9x9x32xf32, #tpu.memory_space<vmem>> -> memref<9x9x32xf32, #tpu.memory_space<vmem>>
        %dma_start3A_429 = arith.constant 0 : i32
        %dma_start3A_430 = tpu.memref_slice %arg2[%squeeze3A_420, %squeeze3A_422, %dma_start3A_429] : memref<6144x24x32xf32, #tpu.memory_space<hbm>> -> memref<9x9x32xf32, #tpu.memory_space<hbm>>
        %dma_start3A_431 = arith.constant 0 : i32
        %dma_start3A_432 = arith.constant 0 : i32
        %dma_start3A_433 = arith.constant 0 : i32
        %dma_start3A_434 = tpu.memref_slice %arg12[%dma_start3A_423, %dma_start3A_431, %dma_start3A_432, %dma_start3A_433] : memref<32x9x9x32xf32, #tpu.memory_space<vmem>> -> memref<1x9x9x32xf32, #tpu.memory_space<vmem>>
        %dma_start3A_435 = tpu.memref_squeeze %dma_start3A_434 : memref<1x9x9x32xf32, #tpu.memory_space<vmem>> -> memref<9x9x32xf32, #tpu.memory_space<vmem>>
        %dma_start3A_436 = arith.constant 0 : i32
        %dma_start3A_437 = tpu.memref_slice %arg2[%squeeze3A_420, %squeeze3A_422, %dma_start3A_436] : memref<6144x24x32xf32, #tpu.memory_space<hbm>> -> memref<9x9x32xf32, #tpu.memory_space<hbm>>
        tpu.enqueue_dma source(%dma_start3A_437 : memref<9x9x32xf32, #tpu.memory_space<hbm>>) target(%dma_start3A_435 : memref<9x9x32xf32, #tpu.memory_space<vmem>>) target_semaphore(%arg13 : memref<!tpu.dma_semaphore, #tpu.memory_space<semaphore_mem>>)
        %slice3A_438 = vector.extract_strided_slice %add3A_60 {offsets = [4], sizes = [1], strides = [1]} : vector<16xi32> to vector<1xi32>
        %squeeze3A_439 = vector.extract %slice3A_438[0] : i32 from vector<1xi32>
        %slice3A_440 = vector.extract_strided_slice %get3A_48 {offsets = [4], sizes = [1], strides = [1]} : vector<16xi32> to vector<1xi32>
        %squeeze3A_441 = vector.extract %slice3A_440[0] : i32 from vector<1xi32>
        %dma_start3A_442 = arith.constant 20 : i32
        %dma_start3A_443 = arith.constant 0 : i32
        %dma_start3A_444 = arith.constant 0 : i32
        %dma_start3A_445 = arith.constant 0 : i32
        %dma_start3A_446 = tpu.memref_slice %arg12[%dma_start3A_442, %dma_start3A_443, %dma_start3A_444, %dma_start3A_445] : memref<32x9x9x32xf32, #tpu.memory_space<vmem>> -> memref<1x9x9x32xf32, #tpu.memory_space<vmem>>
        %dma_start3A_447 = tpu.memref_squeeze %dma_start3A_446 : memref<1x9x9x32xf32, #tpu.memory_space<vmem>> -> memref<9x9x32xf32, #tpu.memory_space<vmem>>
        %dma_start3A_448 = arith.constant 0 : i32
        %dma_start3A_449 = tpu.memref_slice %arg2[%squeeze3A_439, %squeeze3A_441, %dma_start3A_448] : memref<6144x24x32xf32, #tpu.memory_space<hbm>> -> memref<9x9x32xf32, #tpu.memory_space<hbm>>
        %dma_start3A_450 = arith.constant 0 : i32
        %dma_start3A_451 = arith.constant 0 : i32
        %dma_start3A_452 = arith.constant 0 : i32
        %dma_start3A_453 = tpu.memref_slice %arg12[%dma_start3A_442, %dma_start3A_450, %dma_start3A_451, %dma_start3A_452] : memref<32x9x9x32xf32, #tpu.memory_space<vmem>> -> memref<1x9x9x32xf32, #tpu.memory_space<vmem>>
        %dma_start3A_454 = tpu.memref_squeeze %dma_start3A_453 : memref<1x9x9x32xf32, #tpu.memory_space<vmem>> -> memref<9x9x32xf32, #tpu.memory_space<vmem>>
        %dma_start3A_455 = arith.constant 0 : i32
        %dma_start3A_456 = tpu.memref_slice %arg2[%squeeze3A_439, %squeeze3A_441, %dma_start3A_455] : memref<6144x24x32xf32, #tpu.memory_space<hbm>> -> memref<9x9x32xf32, #tpu.memory_space<hbm>>
        tpu.enqueue_dma source(%dma_start3A_456 : memref<9x9x32xf32, #tpu.memory_space<hbm>>) target(%dma_start3A_454 : memref<9x9x32xf32, #tpu.memory_space<vmem>>) target_semaphore(%arg13 : memref<!tpu.dma_semaphore, #tpu.memory_space<semaphore_mem>>)
        %slice3A_457 = vector.extract_strided_slice %add3A_60 {offsets = [5], sizes = [1], strides = [1]} : vector<16xi32> to vector<1xi32>
        %squeeze3A_458 = vector.extract %slice3A_457[0] : i32 from vector<1xi32>
        %slice3A_459 = vector.extract_strided_slice %get3A_48 {offsets = [5], sizes = [1], strides = [1]} : vector<16xi32> to vector<1xi32>
        %squeeze3A_460 = vector.extract %slice3A_459[0] : i32 from vector<1xi32>
        %dma_start3A_461 = arith.constant 21 : i32
        %dma_start3A_462 = arith.constant 0 : i32
        %dma_start3A_463 = arith.constant 0 : i32
        %dma_start3A_464 = arith.constant 0 : i32
        %dma_start3A_465 = tpu.memref_slice %arg12[%dma_start3A_461, %dma_start3A_462, %dma_start3A_463, %dma_start3A_464] : memref<32x9x9x32xf32, #tpu.memory_space<vmem>> -> memref<1x9x9x32xf32, #tpu.memory_space<vmem>>
        %dma_start3A_466 = tpu.memref_squeeze %dma_start3A_465 : memref<1x9x9x32xf32, #tpu.memory_space<vmem>> -> memref<9x9x32xf32, #tpu.memory_space<vmem>>
        %dma_start3A_467 = arith.constant 0 : i32
        %dma_start3A_468 = tpu.memref_slice %arg2[%squeeze3A_458, %squeeze3A_460, %dma_start3A_467] : memref<6144x24x32xf32, #tpu.memory_space<hbm>> -> memref<9x9x32xf32, #tpu.memory_space<hbm>>
        %dma_start3A_469 = arith.constant 0 : i32
        %dma_start3A_470 = arith.constant 0 : i32
        %dma_start3A_471 = arith.constant 0 : i32
        %dma_start3A_472 = tpu.memref_slice %arg12[%dma_start3A_461, %dma_start3A_469, %dma_start3A_470, %dma_start3A_471] : memref<32x9x9x32xf32, #tpu.memory_space<vmem>> -> memref<1x9x9x32xf32, #tpu.memory_space<vmem>>
        %dma_start3A_473 = tpu.memref_squeeze %dma_start3A_472 : memref<1x9x9x32xf32, #tpu.memory_space<vmem>> -> memref<9x9x32xf32, #tpu.memory_space<vmem>>
        %dma_start3A_474 = arith.constant 0 : i32
        %dma_start3A_475 = tpu.memref_slice %arg2[%squeeze3A_458, %squeeze3A_460, %dma_start3A_474] : memref<6144x24x32xf32, #tpu.memory_space<hbm>> -> memref<9x9x32xf32, #tpu.memory_space<hbm>>
        tpu.enqueue_dma source(%dma_start3A_475 : memref<9x9x32xf32, #tpu.memory_space<hbm>>) target(%dma_start3A_473 : memref<9x9x32xf32, #tpu.memory_space<vmem>>) target_semaphore(%arg13 : memref<!tpu.dma_semaphore, #tpu.memory_space<semaphore_mem>>)
        %slice3A_476 = vector.extract_strided_slice %add3A_60 {offsets = [6], sizes = [1], strides = [1]} : vector<16xi32> to vector<1xi32>
        %squeeze3A_477 = vector.extract %slice3A_476[0] : i32 from vector<1xi32>
        %slice3A_478 = vector.extract_strided_slice %get3A_48 {offsets = [6], sizes = [1], strides = [1]} : vector<16xi32> to vector<1xi32>
        %squeeze3A_479 = vector.extract %slice3A_478[0] : i32 from vector<1xi32>
        %dma_start3A_480 = arith.constant 22 : i32
        %dma_start3A_481 = arith.constant 0 : i32
        %dma_start3A_482 = arith.constant 0 : i32
        %dma_start3A_483 = arith.constant 0 : i32
        %dma_start3A_484 = tpu.memref_slice %arg12[%dma_start3A_480, %dma_start3A_481, %dma_start3A_482, %dma_start3A_483] : memref<32x9x9x32xf32, #tpu.memory_space<vmem>> -> memref<1x9x9x32xf32, #tpu.memory_space<vmem>>
        %dma_start3A_485 = tpu.memref_squeeze %dma_start3A_484 : memref<1x9x9x32xf32, #tpu.memory_space<vmem>> -> memref<9x9x32xf32, #tpu.memory_space<vmem>>
        %dma_start3A_486 = arith.constant 0 : i32
        %dma_start3A_487 = tpu.memref_slice %arg2[%squeeze3A_477, %squeeze3A_479, %dma_start3A_486] : memref<6144x24x32xf32, #tpu.memory_space<hbm>> -> memref<9x9x32xf32, #tpu.memory_space<hbm>>
        %dma_start3A_488 = arith.constant 0 : i32
        %dma_start3A_489 = arith.constant 0 : i32
        %dma_start3A_490 = arith.constant 0 : i32
        %dma_start3A_491 = tpu.memref_slice %arg12[%dma_start3A_480, %dma_start3A_488, %dma_start3A_489, %dma_start3A_490] : memref<32x9x9x32xf32, #tpu.memory_space<vmem>> -> memref<1x9x9x32xf32, #tpu.memory_space<vmem>>
        %dma_start3A_492 = tpu.memref_squeeze %dma_start3A_491 : memref<1x9x9x32xf32, #tpu.memory_space<vmem>> -> memref<9x9x32xf32, #tpu.memory_space<vmem>>
        %dma_start3A_493 = arith.constant 0 : i32
        %dma_start3A_494 = tpu.memref_slice %arg2[%squeeze3A_477, %squeeze3A_479, %dma_start3A_493] : memref<6144x24x32xf32, #tpu.memory_space<hbm>> -> memref<9x9x32xf32, #tpu.memory_space<hbm>>
        tpu.enqueue_dma source(%dma_start3A_494 : memref<9x9x32xf32, #tpu.memory_space<hbm>>) target(%dma_start3A_492 : memref<9x9x32xf32, #tpu.memory_space<vmem>>) target_semaphore(%arg13 : memref<!tpu.dma_semaphore, #tpu.memory_space<semaphore_mem>>)
        %slice3A_495 = vector.extract_strided_slice %add3A_60 {offsets = [7], sizes = [1], strides = [1]} : vector<16xi32> to vector<1xi32>
        %squeeze3A_496 = vector.extract %slice3A_495[0] : i32 from vector<1xi32>
        %slice3A_497 = vector.extract_strided_slice %get3A_48 {offsets = [7], sizes = [1], strides = [1]} : vector<16xi32> to vector<1xi32>
        %squeeze3A_498 = vector.extract %slice3A_497[0] : i32 from vector<1xi32>
        %dma_start3A_499 = arith.constant 23 : i32
        %dma_start3A_500 = arith.constant 0 : i32
        %dma_start3A_501 = arith.constant 0 : i32
        %dma_start3A_502 = arith.constant 0 : i32
        %dma_start3A_503 = tpu.memref_slice %arg12[%dma_start3A_499, %dma_start3A_500, %dma_start3A_501, %dma_start3A_502] : memref<32x9x9x32xf32, #tpu.memory_space<vmem>> -> memref<1x9x9x32xf32, #tpu.memory_space<vmem>>
        %dma_start3A_504 = tpu.memref_squeeze %dma_start3A_503 : memref<1x9x9x32xf32, #tpu.memory_space<vmem>> -> memref<9x9x32xf32, #tpu.memory_space<vmem>>
        %dma_start3A_505 = arith.constant 0 : i32
        %dma_start3A_506 = tpu.memref_slice %arg2[%squeeze3A_496, %squeeze3A_498, %dma_start3A_505] : memref<6144x24x32xf32, #tpu.memory_space<hbm>> -> memref<9x9x32xf32, #tpu.memory_space<hbm>>
        %dma_start3A_507 = arith.constant 0 : i32
        %dma_start3A_508 = arith.constant 0 : i32
        %dma_start3A_509 = arith.constant 0 : i32
        %dma_start3A_510 = tpu.memref_slice %arg12[%dma_start3A_499, %dma_start3A_507, %dma_start3A_508, %dma_start3A_509] : memref<32x9x9x32xf32, #tpu.memory_space<vmem>> -> memref<1x9x9x32xf32, #tpu.memory_space<vmem>>
        %dma_start3A_511 = tpu.memref_squeeze %dma_start3A_510 : memref<1x9x9x32xf32, #tpu.memory_space<vmem>> -> memref<9x9x32xf32, #tpu.memory_space<vmem>>
        %dma_start3A_512 = arith.constant 0 : i32
        %dma_start3A_513 = tpu.memref_slice %arg2[%squeeze3A_496, %squeeze3A_498, %dma_start3A_512] : memref<6144x24x32xf32, #tpu.memory_space<hbm>> -> memref<9x9x32xf32, #tpu.memory_space<hbm>>
        tpu.enqueue_dma source(%dma_start3A_513 : memref<9x9x32xf32, #tpu.memory_space<hbm>>) target(%dma_start3A_511 : memref<9x9x32xf32, #tpu.memory_space<vmem>>) target_semaphore(%arg13 : memref<!tpu.dma_semaphore, #tpu.memory_space<semaphore_mem>>)
        %slice3A_514 = vector.extract_strided_slice %add3A_60 {offsets = [8], sizes = [1], strides = [1]} : vector<16xi32> to vector<1xi32>
        %squeeze3A_515 = vector.extract %slice3A_514[0] : i32 from vector<1xi32>
        %slice3A_516 = vector.extract_strided_slice %get3A_48 {offsets = [8], sizes = [1], strides = [1]} : vector<16xi32> to vector<1xi32>
        %squeeze3A_517 = vector.extract %slice3A_516[0] : i32 from vector<1xi32>
        %dma_start3A_518 = arith.constant 24 : i32
        %dma_start3A_519 = arith.constant 0 : i32
        %dma_start3A_520 = arith.constant 0 : i32
        %dma_start3A_521 = arith.constant 0 : i32
        %dma_start3A_522 = tpu.memref_slice %arg12[%dma_start3A_518, %dma_start3A_519, %dma_start3A_520, %dma_start3A_521] : memref<32x9x9x32xf32, #tpu.memory_space<vmem>> -> memref<1x9x9x32xf32, #tpu.memory_space<vmem>>
        %dma_start3A_523 = tpu.memref_squeeze %dma_start3A_522 : memref<1x9x9x32xf32, #tpu.memory_space<vmem>> -> memref<9x9x32xf32, #tpu.memory_space<vmem>>
        %dma_start3A_524 = arith.constant 0 : i32
        %dma_start3A_525 = tpu.memref_slice %arg2[%squeeze3A_515, %squeeze3A_517, %dma_start3A_524] : memref<6144x24x32xf32, #tpu.memory_space<hbm>> -> memref<9x9x32xf32, #tpu.memory_space<hbm>>
        %dma_start3A_526 = arith.constant 0 : i32
        %dma_start3A_527 = arith.constant 0 : i32
        %dma_start3A_528 = arith.constant 0 : i32
        %dma_start3A_529 = tpu.memref_slice %arg12[%dma_start3A_518, %dma_start3A_526, %dma_start3A_527, %dma_start3A_528] : memref<32x9x9x32xf32, #tpu.memory_space<vmem>> -> memref<1x9x9x32xf32, #tpu.memory_space<vmem>>
        %dma_start3A_530 = tpu.memref_squeeze %dma_start3A_529 : memref<1x9x9x32xf32, #tpu.memory_space<vmem>> -> memref<9x9x32xf32, #tpu.memory_space<vmem>>
        %dma_start3A_531 = arith.constant 0 : i32
        %dma_start3A_532 = tpu.memref_slice %arg2[%squeeze3A_515, %squeeze3A_517, %dma_start3A_531] : memref<6144x24x32xf32, #tpu.memory_space<hbm>> -> memref<9x9x32xf32, #tpu.memory_space<hbm>>
        tpu.enqueue_dma source(%dma_start3A_532 : memref<9x9x32xf32, #tpu.memory_space<hbm>>) target(%dma_start3A_530 : memref<9x9x32xf32, #tpu.memory_space<vmem>>) target_semaphore(%arg13 : memref<!tpu.dma_semaphore, #tpu.memory_space<semaphore_mem>>)
        %slice3A_533 = vector.extract_strided_slice %add3A_60 {offsets = [9], sizes = [1], strides = [1]} : vector<16xi32> to vector<1xi32>
        %squeeze3A_534 = vector.extract %slice3A_533[0] : i32 from vector<1xi32>
        %slice3A_535 = vector.extract_strided_slice %get3A_48 {offsets = [9], sizes = [1], strides = [1]} : vector<16xi32> to vector<1xi32>
        %squeeze3A_536 = vector.extract %slice3A_535[0] : i32 from vector<1xi32>
        %dma_start3A_537 = arith.constant 25 : i32
        %dma_start3A_538 = arith.constant 0 : i32
        %dma_start3A_539 = arith.constant 0 : i32
        %dma_start3A_540 = arith.constant 0 : i32
        %dma_start3A_541 = tpu.memref_slice %arg12[%dma_start3A_537, %dma_start3A_538, %dma_start3A_539, %dma_start3A_540] : memref<32x9x9x32xf32, #tpu.memory_space<vmem>> -> memref<1x9x9x32xf32, #tpu.memory_space<vmem>>
        %dma_start3A_542 = tpu.memref_squeeze %dma_start3A_541 : memref<1x9x9x32xf32, #tpu.memory_space<vmem>> -> memref<9x9x32xf32, #tpu.memory_space<vmem>>
        %dma_start3A_543 = arith.constant 0 : i32
        %dma_start3A_544 = tpu.memref_slice %arg2[%squeeze3A_534, %squeeze3A_536, %dma_start3A_543] : memref<6144x24x32xf32, #tpu.memory_space<hbm>> -> memref<9x9x32xf32, #tpu.memory_space<hbm>>
        %dma_start3A_545 = arith.constant 0 : i32
        %dma_start3A_546 = arith.constant 0 : i32
        %dma_start3A_547 = arith.constant 0 : i32
        %dma_start3A_548 = tpu.memref_slice %arg12[%dma_start3A_537, %dma_start3A_545, %dma_start3A_546, %dma_start3A_547] : memref<32x9x9x32xf32, #tpu.memory_space<vmem>> -> memref<1x9x9x32xf32, #tpu.memory_space<vmem>>
        %dma_start3A_549 = tpu.memref_squeeze %dma_start3A_548 : memref<1x9x9x32xf32, #tpu.memory_space<vmem>> -> memref<9x9x32xf32, #tpu.memory_space<vmem>>
        %dma_start3A_550 = arith.constant 0 : i32
        %dma_start3A_551 = tpu.memref_slice %arg2[%squeeze3A_534, %squeeze3A_536, %dma_start3A_550] : memref<6144x24x32xf32, #tpu.memory_space<hbm>> -> memref<9x9x32xf32, #tpu.memory_space<hbm>>
        tpu.enqueue_dma source(%dma_start3A_551 : memref<9x9x32xf32, #tpu.memory_space<hbm>>) target(%dma_start3A_549 : memref<9x9x32xf32, #tpu.memory_space<vmem>>) target_semaphore(%arg13 : memref<!tpu.dma_semaphore, #tpu.memory_space<semaphore_mem>>)
        %slice3A_552 = vector.extract_strided_slice %add3A_60 {offsets = [10], sizes = [1], strides = [1]} : vector<16xi32> to vector<1xi32>
        %squeeze3A_553 = vector.extract %slice3A_552[0] : i32 from vector<1xi32>
        %slice3A_554 = vector.extract_strided_slice %get3A_48 {offsets = [10], sizes = [1], strides = [1]} : vector<16xi32> to vector<1xi32>
        %squeeze3A_555 = vector.extract %slice3A_554[0] : i32 from vector<1xi32>
        %dma_start3A_556 = arith.constant 26 : i32
        %dma_start3A_557 = arith.constant 0 : i32
        %dma_start3A_558 = arith.constant 0 : i32
        %dma_start3A_559 = arith.constant 0 : i32
        %dma_start3A_560 = tpu.memref_slice %arg12[%dma_start3A_556, %dma_start3A_557, %dma_start3A_558, %dma_start3A_559] : memref<32x9x9x32xf32, #tpu.memory_space<vmem>> -> memref<1x9x9x32xf32, #tpu.memory_space<vmem>>
        %dma_start3A_561 = tpu.memref_squeeze %dma_start3A_560 : memref<1x9x9x32xf32, #tpu.memory_space<vmem>> -> memref<9x9x32xf32, #tpu.memory_space<vmem>>
        %dma_start3A_562 = arith.constant 0 : i32
        %dma_start3A_563 = tpu.memref_slice %arg2[%squeeze3A_553, %squeeze3A_555, %dma_start3A_562] : memref<6144x24x32xf32, #tpu.memory_space<hbm>> -> memref<9x9x32xf32, #tpu.memory_space<hbm>>
        %dma_start3A_564 = arith.constant 0 : i32
        %dma_start3A_565 = arith.constant 0 : i32
        %dma_start3A_566 = arith.constant 0 : i32
        %dma_start3A_567 = tpu.memref_slice %arg12[%dma_start3A_556, %dma_start3A_564, %dma_start3A_565, %dma_start3A_566] : memref<32x9x9x32xf32, #tpu.memory_space<vmem>> -> memref<1x9x9x32xf32, #tpu.memory_space<vmem>>
        %dma_start3A_568 = tpu.memref_squeeze %dma_start3A_567 : memref<1x9x9x32xf32, #tpu.memory_space<vmem>> -> memref<9x9x32xf32, #tpu.memory_space<vmem>>
        %dma_start3A_569 = arith.constant 0 : i32
        %dma_start3A_570 = tpu.memref_slice %arg2[%squeeze3A_553, %squeeze3A_555, %dma_start3A_569] : memref<6144x24x32xf32, #tpu.memory_space<hbm>> -> memref<9x9x32xf32, #tpu.memory_space<hbm>>
        tpu.enqueue_dma source(%dma_start3A_570 : memref<9x9x32xf32, #tpu.memory_space<hbm>>) target(%dma_start3A_568 : memref<9x9x32xf32, #tpu.memory_space<vmem>>) target_semaphore(%arg13 : memref<!tpu.dma_semaphore, #tpu.memory_space<semaphore_mem>>)
        %slice3A_571 = vector.extract_strided_slice %add3A_60 {offsets = [11], sizes = [1], strides = [1]} : vector<16xi32> to vector<1xi32>
        %squeeze3A_572 = vector.extract %slice3A_571[0] : i32 from vector<1xi32>
        %slice3A_573 = vector.extract_strided_slice %get3A_48 {offsets = [11], sizes = [1], strides = [1]} : vector<16xi32> to vector<1xi32>
        %squeeze3A_574 = vector.extract %slice3A_573[0] : i32 from vector<1xi32>
        %dma_start3A_575 = arith.constant 27 : i32
        %dma_start3A_576 = arith.constant 0 : i32
        %dma_start3A_577 = arith.constant 0 : i32
        %dma_start3A_578 = arith.constant 0 : i32
        %dma_start3A_579 = tpu.memref_slice %arg12[%dma_start3A_575, %dma_start3A_576, %dma_start3A_577, %dma_start3A_578] : memref<32x9x9x32xf32, #tpu.memory_space<vmem>> -> memref<1x9x9x32xf32, #tpu.memory_space<vmem>>
        %dma_start3A_580 = tpu.memref_squeeze %dma_start3A_579 : memref<1x9x9x32xf32, #tpu.memory_space<vmem>> -> memref<9x9x32xf32, #tpu.memory_space<vmem>>
        %dma_start3A_581 = arith.constant 0 : i32
        %dma_start3A_582 = tpu.memref_slice %arg2[%squeeze3A_572, %squeeze3A_574, %dma_start3A_581] : memref<6144x24x32xf32, #tpu.memory_space<hbm>> -> memref<9x9x32xf32, #tpu.memory_space<hbm>>
        %dma_start3A_583 = arith.constant 0 : i32
        %dma_start3A_584 = arith.constant 0 : i32
        %dma_start3A_585 = arith.constant 0 : i32
        %dma_start3A_586 = tpu.memref_slice %arg12[%dma_start3A_575, %dma_start3A_583, %dma_start3A_584, %dma_start3A_585] : memref<32x9x9x32xf32, #tpu.memory_space<vmem>> -> memref<1x9x9x32xf32, #tpu.memory_space<vmem>>
        %dma_start3A_587 = tpu.memref_squeeze %dma_start3A_586 : memref<1x9x9x32xf32, #tpu.memory_space<vmem>> -> memref<9x9x32xf32, #tpu.memory_space<vmem>>
        %dma_start3A_588 = arith.constant 0 : i32
        %dma_start3A_589 = tpu.memref_slice %arg2[%squeeze3A_572, %squeeze3A_574, %dma_start3A_588] : memref<6144x24x32xf32, #tpu.memory_space<hbm>> -> memref<9x9x32xf32, #tpu.memory_space<hbm>>
        tpu.enqueue_dma source(%dma_start3A_589 : memref<9x9x32xf32, #tpu.memory_space<hbm>>) target(%dma_start3A_587 : memref<9x9x32xf32, #tpu.memory_space<vmem>>) target_semaphore(%arg13 : memref<!tpu.dma_semaphore, #tpu.memory_space<semaphore_mem>>)
        %slice3A_590 = vector.extract_strided_slice %add3A_60 {offsets = [12], sizes = [1], strides = [1]} : vector<16xi32> to vector<1xi32>
        %squeeze3A_591 = vector.extract %slice3A_590[0] : i32 from vector<1xi32>
        %slice3A_592 = vector.extract_strided_slice %get3A_48 {offsets = [12], sizes = [1], strides = [1]} : vector<16xi32> to vector<1xi32>
        %squeeze3A_593 = vector.extract %slice3A_592[0] : i32 from vector<1xi32>
        %dma_start3A_594 = arith.constant 28 : i32
        %dma_start3A_595 = arith.constant 0 : i32
        %dma_start3A_596 = arith.constant 0 : i32
        %dma_start3A_597 = arith.constant 0 : i32
        %dma_start3A_598 = tpu.memref_slice %arg12[%dma_start3A_594, %dma_start3A_595, %dma_start3A_596, %dma_start3A_597] : memref<32x9x9x32xf32, #tpu.memory_space<vmem>> -> memref<1x9x9x32xf32, #tpu.memory_space<vmem>>
        %dma_start3A_599 = tpu.memref_squeeze %dma_start3A_598 : memref<1x9x9x32xf32, #tpu.memory_space<vmem>> -> memref<9x9x32xf32, #tpu.memory_space<vmem>>
        %dma_start3A_600 = arith.constant 0 : i32
        %dma_start3A_601 = tpu.memref_slice %arg2[%squeeze3A_591, %squeeze3A_593, %dma_start3A_600] : memref<6144x24x32xf32, #tpu.memory_space<hbm>> -> memref<9x9x32xf32, #tpu.memory_space<hbm>>
        %dma_start3A_602 = arith.constant 0 : i32
        %dma_start3A_603 = arith.constant 0 : i32
        %dma_start3A_604 = arith.constant 0 : i32
        %dma_start3A_605 = tpu.memref_slice %arg12[%dma_start3A_594, %dma_start3A_602, %dma_start3A_603, %dma_start3A_604] : memref<32x9x9x32xf32, #tpu.memory_space<vmem>> -> memref<1x9x9x32xf32, #tpu.memory_space<vmem>>
        %dma_start3A_606 = tpu.memref_squeeze %dma_start3A_605 : memref<1x9x9x32xf32, #tpu.memory_space<vmem>> -> memref<9x9x32xf32, #tpu.memory_space<vmem>>
        %dma_start3A_607 = arith.constant 0 : i32
        %dma_start3A_608 = tpu.memref_slice %arg2[%squeeze3A_591, %squeeze3A_593, %dma_start3A_607] : memref<6144x24x32xf32, #tpu.memory_space<hbm>> -> memref<9x9x32xf32, #tpu.memory_space<hbm>>
        tpu.enqueue_dma source(%dma_start3A_608 : memref<9x9x32xf32, #tpu.memory_space<hbm>>) target(%dma_start3A_606 : memref<9x9x32xf32, #tpu.memory_space<vmem>>) target_semaphore(%arg13 : memref<!tpu.dma_semaphore, #tpu.memory_space<semaphore_mem>>)
        %slice3A_609 = vector.extract_strided_slice %add3A_60 {offsets = [13], sizes = [1], strides = [1]} : vector<16xi32> to vector<1xi32>
        %squeeze3A_610 = vector.extract %slice3A_609[0] : i32 from vector<1xi32>
        %slice3A_611 = vector.extract_strided_slice %get3A_48 {offsets = [13], sizes = [1], strides = [1]} : vector<16xi32> to vector<1xi32>
        %squeeze3A_612 = vector.extract %slice3A_611[0] : i32 from vector<1xi32>
        %dma_start3A_613 = arith.constant 29 : i32
        %dma_start3A_614 = arith.constant 0 : i32
        %dma_start3A_615 = arith.constant 0 : i32
        %dma_start3A_616 = arith.constant 0 : i32
        %dma_start3A_617 = tpu.memref_slice %arg12[%dma_start3A_613, %dma_start3A_614, %dma_start3A_615, %dma_start3A_616] : memref<32x9x9x32xf32, #tpu.memory_space<vmem>> -> memref<1x9x9x32xf32, #tpu.memory_space<vmem>>
        %dma_start3A_618 = tpu.memref_squeeze %dma_start3A_617 : memref<1x9x9x32xf32, #tpu.memory_space<vmem>> -> memref<9x9x32xf32, #tpu.memory_space<vmem>>
        %dma_start3A_619 = arith.constant 0 : i32
        %dma_start3A_620 = tpu.memref_slice %arg2[%squeeze3A_610, %squeeze3A_612, %dma_start3A_619] : memref<6144x24x32xf32, #tpu.memory_space<hbm>> -> memref<9x9x32xf32, #tpu.memory_space<hbm>>
        %dma_start3A_621 = arith.constant 0 : i32
        %dma_start3A_622 = arith.constant 0 : i32
        %dma_start3A_623 = arith.constant 0 : i32
        %dma_start3A_624 = tpu.memref_slice %arg12[%dma_start3A_613, %dma_start3A_621, %dma_start3A_622, %dma_start3A_623] : memref<32x9x9x32xf32, #tpu.memory_space<vmem>> -> memref<1x9x9x32xf32, #tpu.memory_space<vmem>>
        %dma_start3A_625 = tpu.memref_squeeze %dma_start3A_624 : memref<1x9x9x32xf32, #tpu.memory_space<vmem>> -> memref<9x9x32xf32, #tpu.memory_space<vmem>>
        %dma_start3A_626 = arith.constant 0 : i32
        %dma_start3A_627 = tpu.memref_slice %arg2[%squeeze3A_610, %squeeze3A_612, %dma_start3A_626] : memref<6144x24x32xf32, #tpu.memory_space<hbm>> -> memref<9x9x32xf32, #tpu.memory_space<hbm>>
        tpu.enqueue_dma source(%dma_start3A_627 : memref<9x9x32xf32, #tpu.memory_space<hbm>>) target(%dma_start3A_625 : memref<9x9x32xf32, #tpu.memory_space<vmem>>) target_semaphore(%arg13 : memref<!tpu.dma_semaphore, #tpu.memory_space<semaphore_mem>>)
        %slice3A_628 = vector.extract_strided_slice %add3A_60 {offsets = [14], sizes = [1], strides = [1]} : vector<16xi32> to vector<1xi32>
        %squeeze3A_629 = vector.extract %slice3A_628[0] : i32 from vector<1xi32>
        %slice3A_630 = vector.extract_strided_slice %get3A_48 {offsets = [14], sizes = [1], strides = [1]} : vector<16xi32> to vector<1xi32>
        %squeeze3A_631 = vector.extract %slice3A_630[0] : i32 from vector<1xi32>
        %dma_start3A_632 = arith.constant 30 : i32
        %dma_start3A_633 = arith.constant 0 : i32
        %dma_start3A_634 = arith.constant 0 : i32
        %dma_start3A_635 = arith.constant 0 : i32
        %dma_start3A_636 = tpu.memref_slice %arg12[%dma_start3A_632, %dma_start3A_633, %dma_start3A_634, %dma_start3A_635] : memref<32x9x9x32xf32, #tpu.memory_space<vmem>> -> memref<1x9x9x32xf32, #tpu.memory_space<vmem>>
        %dma_start3A_637 = tpu.memref_squeeze %dma_start3A_636 : memref<1x9x9x32xf32, #tpu.memory_space<vmem>> -> memref<9x9x32xf32, #tpu.memory_space<vmem>>
        %dma_start3A_638 = arith.constant 0 : i32
        %dma_start3A_639 = tpu.memref_slice %arg2[%squeeze3A_629, %squeeze3A_631, %dma_start3A_638] : memref<6144x24x32xf32, #tpu.memory_space<hbm>> -> memref<9x9x32xf32, #tpu.memory_space<hbm>>
        %dma_start3A_640 = arith.constant 0 : i32
        %dma_start3A_641 = arith.constant 0 : i32
        %dma_start3A_642 = arith.constant 0 : i32
        %dma_start3A_643 = tpu.memref_slice %arg12[%dma_start3A_632, %dma_start3A_640, %dma_start3A_641, %dma_start3A_642] : memref<32x9x9x32xf32, #tpu.memory_space<vmem>> -> memref<1x9x9x32xf32, #tpu.memory_space<vmem>>
        %dma_start3A_644 = tpu.memref_squeeze %dma_start3A_643 : memref<1x9x9x32xf32, #tpu.memory_space<vmem>> -> memref<9x9x32xf32, #tpu.memory_space<vmem>>
        %dma_start3A_645 = arith.constant 0 : i32
        %dma_start3A_646 = tpu.memref_slice %arg2[%squeeze3A_629, %squeeze3A_631, %dma_start3A_645] : memref<6144x24x32xf32, #tpu.memory_space<hbm>> -> memref<9x9x32xf32, #tpu.memory_space<hbm>>
        tpu.enqueue_dma source(%dma_start3A_646 : memref<9x9x32xf32, #tpu.memory_space<hbm>>) target(%dma_start3A_644 : memref<9x9x32xf32, #tpu.memory_space<vmem>>) target_semaphore(%arg13 : memref<!tpu.dma_semaphore, #tpu.memory_space<semaphore_mem>>)
        %slice3A_647 = vector.extract_strided_slice %add3A_60 {offsets = [15], sizes = [1], strides = [1]} : vector<16xi32> to vector<1xi32>
        %squeeze3A_648 = vector.extract %slice3A_647[0] : i32 from vector<1xi32>
        %slice3A_649 = vector.extract_strided_slice %get3A_48 {offsets = [15], sizes = [1], strides = [1]} : vector<16xi32> to vector<1xi32>
        %squeeze3A_650 = vector.extract %slice3A_649[0] : i32 from vector<1xi32>
        %dma_start3A_651 = arith.constant 31 : i32
        %dma_start3A_652 = arith.constant 0 : i32
        %dma_start3A_653 = arith.constant 0 : i32
        %dma_start3A_654 = arith.constant 0 : i32
        %dma_start3A_655 = tpu.memref_slice %arg12[%dma_start3A_651, %dma_start3A_652, %dma_start3A_653, %dma_start3A_654] : memref<32x9x9x32xf32, #tpu.memory_space<vmem>> -> memref<1x9x9x32xf32, #tpu.memory_space<vmem>>
        %dma_start3A_656 = tpu.memref_squeeze %dma_start3A_655 : memref<1x9x9x32xf32, #tpu.memory_space<vmem>> -> memref<9x9x32xf32, #tpu.memory_space<vmem>>
        %dma_start3A_657 = arith.constant 0 : i32
        %dma_start3A_658 = tpu.memref_slice %arg2[%squeeze3A_648, %squeeze3A_650, %dma_start3A_657] : memref<6144x24x32xf32, #tpu.memory_space<hbm>> -> memref<9x9x32xf32, #tpu.memory_space<hbm>>
        %dma_start3A_659 = arith.constant 0 : i32
        %dma_start3A_660 = arith.constant 0 : i32
        %dma_start3A_661 = arith.constant 0 : i32
        %dma_start3A_662 = tpu.memref_slice %arg12[%dma_start3A_651, %dma_start3A_659, %dma_start3A_660, %dma_start3A_661] : memref<32x9x9x32xf32, #tpu.memory_space<vmem>> -> memref<1x9x9x32xf32, #tpu.memory_space<vmem>>
        %dma_start3A_663 = tpu.memref_squeeze %dma_start3A_662 : memref<1x9x9x32xf32, #tpu.memory_space<vmem>> -> memref<9x9x32xf32, #tpu.memory_space<vmem>>
        %dma_start3A_664 = arith.constant 0 : i32
        %dma_start3A_665 = tpu.memref_slice %arg2[%squeeze3A_648, %squeeze3A_650, %dma_start3A_664] : memref<6144x24x32xf32, #tpu.memory_space<hbm>> -> memref<9x9x32xf32, #tpu.memory_space<hbm>>
        tpu.enqueue_dma source(%dma_start3A_665 : memref<9x9x32xf32, #tpu.memory_space<hbm>>) target(%dma_start3A_663 : memref<9x9x32xf32, #tpu.memory_space<vmem>>) target_semaphore(%arg13 : memref<!tpu.dma_semaphore, #tpu.memory_space<semaphore_mem>>)
        %dma_wait3A = arith.constant 0 : i32
        %dma_wait3A_666 = arith.constant 0 : i32
        %dma_wait3A_667 = arith.constant 0 : i32
        %dma_wait3A_668 = arith.constant 0 : i32
        %dma_wait3A_669 = tpu.memref_slice %arg12[%dma_wait3A, %dma_wait3A_666, %dma_wait3A_667, %dma_wait3A_668] : memref<32x9x9x32xf32, #tpu.memory_space<vmem>> -> memref<1x9x9x32xf32, #tpu.memory_space<vmem>>
        %dma_wait3A_670 = tpu.memref_squeeze %dma_wait3A_669 : memref<1x9x9x32xf32, #tpu.memory_space<vmem>> -> memref<9x9x32xf32, #tpu.memory_space<vmem>>
        %dma_wait3A_671 = arith.constant 0 : i32
        %dma_wait3A_672 = tpu.memref_slice %arg2[%squeeze3A, %squeeze3A_62, %dma_wait3A_671] : memref<6144x24x32xf32, #tpu.memory_space<hbm>> -> memref<9x9x32xf32, #tpu.memory_space<hbm>>
        %dma_wait3A_673 = arith.constant 0 : i32
        %dma_wait3A_674 = arith.constant 0 : i32
        %dma_wait3A_675 = arith.constant 0 : i32
        %dma_wait3A_676 = tpu.memref_slice %arg12[%dma_wait3A, %dma_wait3A_673, %dma_wait3A_674, %dma_wait3A_675] : memref<32x9x9x32xf32, #tpu.memory_space<vmem>> -> memref<1x9x9x32xf32, #tpu.memory_space<vmem>>
        %dma_wait3A_677 = tpu.memref_squeeze %dma_wait3A_676 : memref<1x9x9x32xf32, #tpu.memory_space<vmem>> -> memref<9x9x32xf32, #tpu.memory_space<vmem>>
        %dma_wait3A_678 = arith.constant 0 : i32
        %dma_wait3A_679 = tpu.memref_slice %arg2[%squeeze3A, %squeeze3A_62, %dma_wait3A_678] : memref<6144x24x32xf32, #tpu.memory_space<hbm>> -> memref<9x9x32xf32, #tpu.memory_space<hbm>>
        tpu.wait_dma2 semaphore(%arg13 : memref<!tpu.dma_semaphore, #tpu.memory_space<semaphore_mem>>) src(%dma_wait3A_679 : memref<9x9x32xf32, #tpu.memory_space<hbm>>) dst(%dma_wait3A_677 : memref<9x9x32xf32, #tpu.memory_space<vmem>>)
        %dma_wait3A_680 = arith.constant 1 : i32
        %dma_wait3A_681 = arith.constant 0 : i32
        %dma_wait3A_682 = arith.constant 0 : i32
        %dma_wait3A_683 = arith.constant 0 : i32
        %dma_wait3A_684 = tpu.memref_slice %arg12[%dma_wait3A_680, %dma_wait3A_681, %dma_wait3A_682, %dma_wait3A_683] : memref<32x9x9x32xf32, #tpu.memory_space<vmem>> -> memref<1x9x9x32xf32, #tpu.memory_space<vmem>>
        %dma_wait3A_685 = tpu.memref_squeeze %dma_wait3A_684 : memref<1x9x9x32xf32, #tpu.memory_space<vmem>> -> memref<9x9x32xf32, #tpu.memory_space<vmem>>
        %dma_wait3A_686 = arith.constant 0 : i32
        %dma_wait3A_687 = tpu.memref_slice %arg2[%squeeze3A_78, %squeeze3A_80, %dma_wait3A_686] : memref<6144x24x32xf32, #tpu.memory_space<hbm>> -> memref<9x9x32xf32, #tpu.memory_space<hbm>>
        %dma_wait3A_688 = arith.constant 0 : i32
        %dma_wait3A_689 = arith.constant 0 : i32
        %dma_wait3A_690 = arith.constant 0 : i32
        %dma_wait3A_691 = tpu.memref_slice %arg12[%dma_wait3A_680, %dma_wait3A_688, %dma_wait3A_689, %dma_wait3A_690] : memref<32x9x9x32xf32, #tpu.memory_space<vmem>> -> memref<1x9x9x32xf32, #tpu.memory_space<vmem>>
        %dma_wait3A_692 = tpu.memref_squeeze %dma_wait3A_691 : memref<1x9x9x32xf32, #tpu.memory_space<vmem>> -> memref<9x9x32xf32, #tpu.memory_space<vmem>>
        %dma_wait3A_693 = arith.constant 0 : i32
        %dma_wait3A_694 = tpu.memref_slice %arg2[%squeeze3A_78, %squeeze3A_80, %dma_wait3A_693] : memref<6144x24x32xf32, #tpu.memory_space<hbm>> -> memref<9x9x32xf32, #tpu.memory_space<hbm>>
        tpu.wait_dma2 semaphore(%arg13 : memref<!tpu.dma_semaphore, #tpu.memory_space<semaphore_mem>>) src(%dma_wait3A_694 : memref<9x9x32xf32, #tpu.memory_space<hbm>>) dst(%dma_wait3A_692 : memref<9x9x32xf32, #tpu.memory_space<vmem>>)
        %dma_wait3A_695 = arith.constant 2 : i32
        %dma_wait3A_696 = arith.constant 0 : i32
        %dma_wait3A_697 = arith.constant 0 : i32
        %dma_wait3A_698 = arith.constant 0 : i32
        %dma_wait3A_699 = tpu.memref_slice %arg12[%dma_wait3A_695, %dma_wait3A_696, %dma_wait3A_697, %dma_wait3A_698] : memref<32x9x9x32xf32, #tpu.memory_space<vmem>> -> memref<1x9x9x32xf32, #tpu.memory_space<vmem>>
        %dma_wait3A_700 = tpu.memref_squeeze %dma_wait3A_699 : memref<1x9x9x32xf32, #tpu.memory_space<vmem>> -> memref<9x9x32xf32, #tpu.memory_space<vmem>>
        %dma_wait3A_701 = arith.constant 0 : i32
        %dma_wait3A_702 = tpu.memref_slice %arg2[%squeeze3A_97, %squeeze3A_99, %dma_wait3A_701] : memref<6144x24x32xf32, #tpu.memory_space<hbm>> -> memref<9x9x32xf32, #tpu.memory_space<hbm>>
        %dma_wait3A_703 = arith.constant 0 : i32
        %dma_wait3A_704 = arith.constant 0 : i32
        %dma_wait3A_705 = arith.constant 0 : i32
        %dma_wait3A_706 = tpu.memref_slice %arg12[%dma_wait3A_695, %dma_wait3A_703, %dma_wait3A_704, %dma_wait3A_705] : memref<32x9x9x32xf32, #tpu.memory_space<vmem>> -> memref<1x9x9x32xf32, #tpu.memory_space<vmem>>
        %dma_wait3A_707 = tpu.memref_squeeze %dma_wait3A_706 : memref<1x9x9x32xf32, #tpu.memory_space<vmem>> -> memref<9x9x32xf32, #tpu.memory_space<vmem>>
        %dma_wait3A_708 = arith.constant 0 : i32
        %dma_wait3A_709 = tpu.memref_slice %arg2[%squeeze3A_97, %squeeze3A_99, %dma_wait3A_708] : memref<6144x24x32xf32, #tpu.memory_space<hbm>> -> memref<9x9x32xf32, #tpu.memory_space<hbm>>
        tpu.wait_dma2 semaphore(%arg13 : memref<!tpu.dma_semaphore, #tpu.memory_space<semaphore_mem>>) src(%dma_wait3A_709 : memref<9x9x32xf32, #tpu.memory_space<hbm>>) dst(%dma_wait3A_707 : memref<9x9x32xf32, #tpu.memory_space<vmem>>)
        %dma_wait3A_710 = arith.constant 3 : i32
        %dma_wait3A_711 = arith.constant 0 : i32
        %dma_wait3A_712 = arith.constant 0 : i32
        %dma_wait3A_713 = arith.constant 0 : i32
        %dma_wait3A_714 = tpu.memref_slice %arg12[%dma_wait3A_710, %dma_wait3A_711, %dma_wait3A_712, %dma_wait3A_713] : memref<32x9x9x32xf32, #tpu.memory_space<vmem>> -> memref<1x9x9x32xf32, #tpu.memory_space<vmem>>
        %dma_wait3A_715 = tpu.memref_squeeze %dma_wait3A_714 : memref<1x9x9x32xf32, #tpu.memory_space<vmem>> -> memref<9x9x32xf32, #tpu.memory_space<vmem>>
        %dma_wait3A_716 = arith.constant 0 : i32
        %dma_wait3A_717 = tpu.memref_slice %arg2[%squeeze3A_116, %squeeze3A_118, %dma_wait3A_716] : memref<6144x24x32xf32, #tpu.memory_space<hbm>> -> memref<9x9x32xf32, #tpu.memory_space<hbm>>
        %dma_wait3A_718 = arith.constant 0 : i32
        %dma_wait3A_719 = arith.constant 0 : i32
        %dma_wait3A_720 = arith.constant 0 : i32
        %dma_wait3A_721 = tpu.memref_slice %arg12[%dma_wait3A_710, %dma_wait3A_718, %dma_wait3A_719, %dma_wait3A_720] : memref<32x9x9x32xf32, #tpu.memory_space<vmem>> -> memref<1x9x9x32xf32, #tpu.memory_space<vmem>>
        %dma_wait3A_722 = tpu.memref_squeeze %dma_wait3A_721 : memref<1x9x9x32xf32, #tpu.memory_space<vmem>> -> memref<9x9x32xf32, #tpu.memory_space<vmem>>
        %dma_wait3A_723 = arith.constant 0 : i32
        %dma_wait3A_724 = tpu.memref_slice %arg2[%squeeze3A_116, %squeeze3A_118, %dma_wait3A_723] : memref<6144x24x32xf32, #tpu.memory_space<hbm>> -> memref<9x9x32xf32, #tpu.memory_space<hbm>>
        tpu.wait_dma2 semaphore(%arg13 : memref<!tpu.dma_semaphore, #tpu.memory_space<semaphore_mem>>) src(%dma_wait3A_724 : memref<9x9x32xf32, #tpu.memory_space<hbm>>) dst(%dma_wait3A_722 : memref<9x9x32xf32, #tpu.memory_space<vmem>>)
        %dma_wait3A_725 = arith.constant 4 : i32
        %dma_wait3A_726 = arith.constant 0 : i32
        %dma_wait3A_727 = arith.constant 0 : i32
        %dma_wait3A_728 = arith.constant 0 : i32
        %dma_wait3A_729 = tpu.memref_slice %arg12[%dma_wait3A_725, %dma_wait3A_726, %dma_wait3A_727, %dma_wait3A_728] : memref<32x9x9x32xf32, #tpu.memory_space<vmem>> -> memref<1x9x9x32xf32, #tpu.memory_space<vmem>>
        %dma_wait3A_730 = tpu.memref_squeeze %dma_wait3A_729 : memref<1x9x9x32xf32, #tpu.memory_space<vmem>> -> memref<9x9x32xf32, #tpu.memory_space<vmem>>
        %dma_wait3A_731 = arith.constant 0 : i32
        %dma_wait3A_732 = tpu.memref_slice %arg2[%squeeze3A_135, %squeeze3A_137, %dma_wait3A_731] : memref<6144x24x32xf32, #tpu.memory_space<hbm>> -> memref<9x9x32xf32, #tpu.memory_space<hbm>>
        %dma_wait3A_733 = arith.constant 0 : i32
        %dma_wait3A_734 = arith.constant 0 : i32
        %dma_wait3A_735 = arith.constant 0 : i32
        %dma_wait3A_736 = tpu.memref_slice %arg12[%dma_wait3A_725, %dma_wait3A_733, %dma_wait3A_734, %dma_wait3A_735] : memref<32x9x9x32xf32, #tpu.memory_space<vmem>> -> memref<1x9x9x32xf32, #tpu.memory_space<vmem>>
        %dma_wait3A_737 = tpu.memref_squeeze %dma_wait3A_736 : memref<1x9x9x32xf32, #tpu.memory_space<vmem>> -> memref<9x9x32xf32, #tpu.memory_space<vmem>>
        %dma_wait3A_738 = arith.constant 0 : i32
        %dma_wait3A_739 = tpu.memref_slice %arg2[%squeeze3A_135, %squeeze3A_137, %dma_wait3A_738] : memref<6144x24x32xf32, #tpu.memory_space<hbm>> -> memref<9x9x32xf32, #tpu.memory_space<hbm>>
        tpu.wait_dma2 semaphore(%arg13 : memref<!tpu.dma_semaphore, #tpu.memory_space<semaphore_mem>>) src(%dma_wait3A_739 : memref<9x9x32xf32, #tpu.memory_space<hbm>>) dst(%dma_wait3A_737 : memref<9x9x32xf32, #tpu.memory_space<vmem>>)
        %dma_wait3A_740 = arith.constant 5 : i32
        %dma_wait3A_741 = arith.constant 0 : i32
        %dma_wait3A_742 = arith.constant 0 : i32
        %dma_wait3A_743 = arith.constant 0 : i32
        %dma_wait3A_744 = tpu.memref_slice %arg12[%dma_wait3A_740, %dma_wait3A_741, %dma_wait3A_742, %dma_wait3A_743] : memref<32x9x9x32xf32, #tpu.memory_space<vmem>> -> memref<1x9x9x32xf32, #tpu.memory_space<vmem>>
        %dma_wait3A_745 = tpu.memref_squeeze %dma_wait3A_744 : memref<1x9x9x32xf32, #tpu.memory_space<vmem>> -> memref<9x9x32xf32, #tpu.memory_space<vmem>>
        %dma_wait3A_746 = arith.constant 0 : i32
        %dma_wait3A_747 = tpu.memref_slice %arg2[%squeeze3A_154, %squeeze3A_156, %dma_wait3A_746] : memref<6144x24x32xf32, #tpu.memory_space<hbm>> -> memref<9x9x32xf32, #tpu.memory_space<hbm>>
        %dma_wait3A_748 = arith.constant 0 : i32
        %dma_wait3A_749 = arith.constant 0 : i32
        %dma_wait3A_750 = arith.constant 0 : i32
        %dma_wait3A_751 = tpu.memref_slice %arg12[%dma_wait3A_740, %dma_wait3A_748, %dma_wait3A_749, %dma_wait3A_750] : memref<32x9x9x32xf32, #tpu.memory_space<vmem>> -> memref<1x9x9x32xf32, #tpu.memory_space<vmem>>
        %dma_wait3A_752 = tpu.memref_squeeze %dma_wait3A_751 : memref<1x9x9x32xf32, #tpu.memory_space<vmem>> -> memref<9x9x32xf32, #tpu.memory_space<vmem>>
        %dma_wait3A_753 = arith.constant 0 : i32
        %dma_wait3A_754 = tpu.memref_slice %arg2[%squeeze3A_154, %squeeze3A_156, %dma_wait3A_753] : memref<6144x24x32xf32, #tpu.memory_space<hbm>> -> memref<9x9x32xf32, #tpu.memory_space<hbm>>
        tpu.wait_dma2 semaphore(%arg13 : memref<!tpu.dma_semaphore, #tpu.memory_space<semaphore_mem>>) src(%dma_wait3A_754 : memref<9x9x32xf32, #tpu.memory_space<hbm>>) dst(%dma_wait3A_752 : memref<9x9x32xf32, #tpu.memory_space<vmem>>)
        %dma_wait3A_755 = arith.constant 6 : i32
        %dma_wait3A_756 = arith.constant 0 : i32
        %dma_wait3A_757 = arith.constant 0 : i32
        %dma_wait3A_758 = arith.constant 0 : i32
        %dma_wait3A_759 = tpu.memref_slice %arg12[%dma_wait3A_755, %dma_wait3A_756, %dma_wait3A_757, %dma_wait3A_758] : memref<32x9x9x32xf32, #tpu.memory_space<vmem>> -> memref<1x9x9x32xf32, #tpu.memory_space<vmem>>
        %dma_wait3A_760 = tpu.memref_squeeze %dma_wait3A_759 : memref<1x9x9x32xf32, #tpu.memory_space<vmem>> -> memref<9x9x32xf32, #tpu.memory_space<vmem>>
        %dma_wait3A_761 = arith.constant 0 : i32
        %dma_wait3A_762 = tpu.memref_slice %arg2[%squeeze3A_173, %squeeze3A_175, %dma_wait3A_761] : memref<6144x24x32xf32, #tpu.memory_space<hbm>> -> memref<9x9x32xf32, #tpu.memory_space<hbm>>
        %dma_wait3A_763 = arith.constant 0 : i32
        %dma_wait3A_764 = arith.constant 0 : i32
        %dma_wait3A_765 = arith.constant 0 : i32
        %dma_wait3A_766 = tpu.memref_slice %arg12[%dma_wait3A_755, %dma_wait3A_763, %dma_wait3A_764, %dma_wait3A_765] : memref<32x9x9x32xf32, #tpu.memory_space<vmem>> -> memref<1x9x9x32xf32, #tpu.memory_space<vmem>>
        %dma_wait3A_767 = tpu.memref_squeeze %dma_wait3A_766 : memref<1x9x9x32xf32, #tpu.memory_space<vmem>> -> memref<9x9x32xf32, #tpu.memory_space<vmem>>
        %dma_wait3A_768 = arith.constant 0 : i32
        %dma_wait3A_769 = tpu.memref_slice %arg2[%squeeze3A_173, %squeeze3A_175, %dma_wait3A_768] : memref<6144x24x32xf32, #tpu.memory_space<hbm>> -> memref<9x9x32xf32, #tpu.memory_space<hbm>>
        tpu.wait_dma2 semaphore(%arg13 : memref<!tpu.dma_semaphore, #tpu.memory_space<semaphore_mem>>) src(%dma_wait3A_769 : memref<9x9x32xf32, #tpu.memory_space<hbm>>) dst(%dma_wait3A_767 : memref<9x9x32xf32, #tpu.memory_space<vmem>>)
        %dma_wait3A_770 = arith.constant 7 : i32
        %dma_wait3A_771 = arith.constant 0 : i32
        %dma_wait3A_772 = arith.constant 0 : i32
        %dma_wait3A_773 = arith.constant 0 : i32
        %dma_wait3A_774 = tpu.memref_slice %arg12[%dma_wait3A_770, %dma_wait3A_771, %dma_wait3A_772, %dma_wait3A_773] : memref<32x9x9x32xf32, #tpu.memory_space<vmem>> -> memref<1x9x9x32xf32, #tpu.memory_space<vmem>>
        %dma_wait3A_775 = tpu.memref_squeeze %dma_wait3A_774 : memref<1x9x9x32xf32, #tpu.memory_space<vmem>> -> memref<9x9x32xf32, #tpu.memory_space<vmem>>
        %dma_wait3A_776 = arith.constant 0 : i32
        %dma_wait3A_777 = tpu.memref_slice %arg2[%squeeze3A_192, %squeeze3A_194, %dma_wait3A_776] : memref<6144x24x32xf32, #tpu.memory_space<hbm>> -> memref<9x9x32xf32, #tpu.memory_space<hbm>>
        %dma_wait3A_778 = arith.constant 0 : i32
        %dma_wait3A_779 = arith.constant 0 : i32
        %dma_wait3A_780 = arith.constant 0 : i32
        %dma_wait3A_781 = tpu.memref_slice %arg12[%dma_wait3A_770, %dma_wait3A_778, %dma_wait3A_779, %dma_wait3A_780] : memref<32x9x9x32xf32, #tpu.memory_space<vmem>> -> memref<1x9x9x32xf32, #tpu.memory_space<vmem>>
        %dma_wait3A_782 = tpu.memref_squeeze %dma_wait3A_781 : memref<1x9x9x32xf32, #tpu.memory_space<vmem>> -> memref<9x9x32xf32, #tpu.memory_space<vmem>>
        %dma_wait3A_783 = arith.constant 0 : i32
        %dma_wait3A_784 = tpu.memref_slice %arg2[%squeeze3A_192, %squeeze3A_194, %dma_wait3A_783] : memref<6144x24x32xf32, #tpu.memory_space<hbm>> -> memref<9x9x32xf32, #tpu.memory_space<hbm>>
        tpu.wait_dma2 semaphore(%arg13 : memref<!tpu.dma_semaphore, #tpu.memory_space<semaphore_mem>>) src(%dma_wait3A_784 : memref<9x9x32xf32, #tpu.memory_space<hbm>>) dst(%dma_wait3A_782 : memref<9x9x32xf32, #tpu.memory_space<vmem>>)
        %dma_wait3A_785 = arith.constant 8 : i32
        %dma_wait3A_786 = arith.constant 0 : i32
        %dma_wait3A_787 = arith.constant 0 : i32
        %dma_wait3A_788 = arith.constant 0 : i32
        %dma_wait3A_789 = tpu.memref_slice %arg12[%dma_wait3A_785, %dma_wait3A_786, %dma_wait3A_787, %dma_wait3A_788] : memref<32x9x9x32xf32, #tpu.memory_space<vmem>> -> memref<1x9x9x32xf32, #tpu.memory_space<vmem>>
        %dma_wait3A_790 = tpu.memref_squeeze %dma_wait3A_789 : memref<1x9x9x32xf32, #tpu.memory_space<vmem>> -> memref<9x9x32xf32, #tpu.memory_space<vmem>>
        %dma_wait3A_791 = arith.constant 0 : i32
        %dma_wait3A_792 = tpu.memref_slice %arg2[%squeeze3A_211, %squeeze3A_213, %dma_wait3A_791] : memref<6144x24x32xf32, #tpu.memory_space<hbm>> -> memref<9x9x32xf32, #tpu.memory_space<hbm>>
        %dma_wait3A_793 = arith.constant 0 : i32
        %dma_wait3A_794 = arith.constant 0 : i32
        %dma_wait3A_795 = arith.constant 0 : i32
        %dma_wait3A_796 = tpu.memref_slice %arg12[%dma_wait3A_785, %dma_wait3A_793, %dma_wait3A_794, %dma_wait3A_795] : memref<32x9x9x32xf32, #tpu.memory_space<vmem>> -> memref<1x9x9x32xf32, #tpu.memory_space<vmem>>
        %dma_wait3A_797 = tpu.memref_squeeze %dma_wait3A_796 : memref<1x9x9x32xf32, #tpu.memory_space<vmem>> -> memref<9x9x32xf32, #tpu.memory_space<vmem>>
        %dma_wait3A_798 = arith.constant 0 : i32
        %dma_wait3A_799 = tpu.memref_slice %arg2[%squeeze3A_211, %squeeze3A_213, %dma_wait3A_798] : memref<6144x24x32xf32, #tpu.memory_space<hbm>> -> memref<9x9x32xf32, #tpu.memory_space<hbm>>
        tpu.wait_dma2 semaphore(%arg13 : memref<!tpu.dma_semaphore, #tpu.memory_space<semaphore_mem>>) src(%dma_wait3A_799 : memref<9x9x32xf32, #tpu.memory_space<hbm>>) dst(%dma_wait3A_797 : memref<9x9x32xf32, #tpu.memory_space<vmem>>)
        %dma_wait3A_800 = arith.constant 9 : i32
        %dma_wait3A_801 = arith.constant 0 : i32
        %dma_wait3A_802 = arith.constant 0 : i32
        %dma_wait3A_803 = arith.constant 0 : i32
        %dma_wait3A_804 = tpu.memref_slice %arg12[%dma_wait3A_800, %dma_wait3A_801, %dma_wait3A_802, %dma_wait3A_803] : memref<32x9x9x32xf32, #tpu.memory_space<vmem>> -> memref<1x9x9x32xf32, #tpu.memory_space<vmem>>
        %dma_wait3A_805 = tpu.memref_squeeze %dma_wait3A_804 : memref<1x9x9x32xf32, #tpu.memory_space<vmem>> -> memref<9x9x32xf32, #tpu.memory_space<vmem>>
        %dma_wait3A_806 = arith.constant 0 : i32
        %dma_wait3A_807 = tpu.memref_slice %arg2[%squeeze3A_230, %squeeze3A_232, %dma_wait3A_806] : memref<6144x24x32xf32, #tpu.memory_space<hbm>> -> memref<9x9x32xf32, #tpu.memory_space<hbm>>
        %dma_wait3A_808 = arith.constant 0 : i32
        %dma_wait3A_809 = arith.constant 0 : i32
        %dma_wait3A_810 = arith.constant 0 : i32
        %dma_wait3A_811 = tpu.memref_slice %arg12[%dma_wait3A_800, %dma_wait3A_808, %dma_wait3A_809, %dma_wait3A_810] : memref<32x9x9x32xf32, #tpu.memory_space<vmem>> -> memref<1x9x9x32xf32, #tpu.memory_space<vmem>>
        %dma_wait3A_812 = tpu.memref_squeeze %dma_wait3A_811 : memref<1x9x9x32xf32, #tpu.memory_space<vmem>> -> memref<9x9x32xf32, #tpu.memory_space<vmem>>
        %dma_wait3A_813 = arith.constant 0 : i32
        %dma_wait3A_814 = tpu.memref_slice %arg2[%squeeze3A_230, %squeeze3A_232, %dma_wait3A_813] : memref<6144x24x32xf32, #tpu.memory_space<hbm>> -> memref<9x9x32xf32, #tpu.memory_space<hbm>>
        tpu.wait_dma2 semaphore(%arg13 : memref<!tpu.dma_semaphore, #tpu.memory_space<semaphore_mem>>) src(%dma_wait3A_814 : memref<9x9x32xf32, #tpu.memory_space<hbm>>) dst(%dma_wait3A_812 : memref<9x9x32xf32, #tpu.memory_space<vmem>>)
        %dma_wait3A_815 = arith.constant 10 : i32
        %dma_wait3A_816 = arith.constant 0 : i32
        %dma_wait3A_817 = arith.constant 0 : i32
        %dma_wait3A_818 = arith.constant 0 : i32
        %dma_wait3A_819 = tpu.memref_slice %arg12[%dma_wait3A_815, %dma_wait3A_816, %dma_wait3A_817, %dma_wait3A_818] : memref<32x9x9x32xf32, #tpu.memory_space<vmem>> -> memref<1x9x9x32xf32, #tpu.memory_space<vmem>>
        %dma_wait3A_820 = tpu.memref_squeeze %dma_wait3A_819 : memref<1x9x9x32xf32, #tpu.memory_space<vmem>> -> memref<9x9x32xf32, #tpu.memory_space<vmem>>
        %dma_wait3A_821 = arith.constant 0 : i32
        %dma_wait3A_822 = tpu.memref_slice %arg2[%squeeze3A_249, %squeeze3A_251, %dma_wait3A_821] : memref<6144x24x32xf32, #tpu.memory_space<hbm>> -> memref<9x9x32xf32, #tpu.memory_space<hbm>>
        %dma_wait3A_823 = arith.constant 0 : i32
        %dma_wait3A_824 = arith.constant 0 : i32
        %dma_wait3A_825 = arith.constant 0 : i32
        %dma_wait3A_826 = tpu.memref_slice %arg12[%dma_wait3A_815, %dma_wait3A_823, %dma_wait3A_824, %dma_wait3A_825] : memref<32x9x9x32xf32, #tpu.memory_space<vmem>> -> memref<1x9x9x32xf32, #tpu.memory_space<vmem>>
        %dma_wait3A_827 = tpu.memref_squeeze %dma_wait3A_826 : memref<1x9x9x32xf32, #tpu.memory_space<vmem>> -> memref<9x9x32xf32, #tpu.memory_space<vmem>>
        %dma_wait3A_828 = arith.constant 0 : i32
        %dma_wait3A_829 = tpu.memref_slice %arg2[%squeeze3A_249, %squeeze3A_251, %dma_wait3A_828] : memref<6144x24x32xf32, #tpu.memory_space<hbm>> -> memref<9x9x32xf32, #tpu.memory_space<hbm>>
        tpu.wait_dma2 semaphore(%arg13 : memref<!tpu.dma_semaphore, #tpu.memory_space<semaphore_mem>>) src(%dma_wait3A_829 : memref<9x9x32xf32, #tpu.memory_space<hbm>>) dst(%dma_wait3A_827 : memref<9x9x32xf32, #tpu.memory_space<vmem>>)
        %dma_wait3A_830 = arith.constant 11 : i32
        %dma_wait3A_831 = arith.constant 0 : i32
        %dma_wait3A_832 = arith.constant 0 : i32
        %dma_wait3A_833 = arith.constant 0 : i32
        %dma_wait3A_834 = tpu.memref_slice %arg12[%dma_wait3A_830, %dma_wait3A_831, %dma_wait3A_832, %dma_wait3A_833] : memref<32x9x9x32xf32, #tpu.memory_space<vmem>> -> memref<1x9x9x32xf32, #tpu.memory_space<vmem>>
        %dma_wait3A_835 = tpu.memref_squeeze %dma_wait3A_834 : memref<1x9x9x32xf32, #tpu.memory_space<vmem>> -> memref<9x9x32xf32, #tpu.memory_space<vmem>>
        %dma_wait3A_836 = arith.constant 0 : i32
        %dma_wait3A_837 = tpu.memref_slice %arg2[%squeeze3A_268, %squeeze3A_270, %dma_wait3A_836] : memref<6144x24x32xf32, #tpu.memory_space<hbm>> -> memref<9x9x32xf32, #tpu.memory_space<hbm>>
        %dma_wait3A_838 = arith.constant 0 : i32
        %dma_wait3A_839 = arith.constant 0 : i32
        %dma_wait3A_840 = arith.constant 0 : i32
        %dma_wait3A_841 = tpu.memref_slice %arg12[%dma_wait3A_830, %dma_wait3A_838, %dma_wait3A_839, %dma_wait3A_840] : memref<32x9x9x32xf32, #tpu.memory_space<vmem>> -> memref<1x9x9x32xf32, #tpu.memory_space<vmem>>
        %dma_wait3A_842 = tpu.memref_squeeze %dma_wait3A_841 : memref<1x9x9x32xf32, #tpu.memory_space<vmem>> -> memref<9x9x32xf32, #tpu.memory_space<vmem>>
        %dma_wait3A_843 = arith.constant 0 : i32
        %dma_wait3A_844 = tpu.memref_slice %arg2[%squeeze3A_268, %squeeze3A_270, %dma_wait3A_843] : memref<6144x24x32xf32, #tpu.memory_space<hbm>> -> memref<9x9x32xf32, #tpu.memory_space<hbm>>
        tpu.wait_dma2 semaphore(%arg13 : memref<!tpu.dma_semaphore, #tpu.memory_space<semaphore_mem>>) src(%dma_wait3A_844 : memref<9x9x32xf32, #tpu.memory_space<hbm>>) dst(%dma_wait3A_842 : memref<9x9x32xf32, #tpu.memory_space<vmem>>)
        %dma_wait3A_845 = arith.constant 12 : i32
        %dma_wait3A_846 = arith.constant 0 : i32
        %dma_wait3A_847 = arith.constant 0 : i32
        %dma_wait3A_848 = arith.constant 0 : i32
        %dma_wait3A_849 = tpu.memref_slice %arg12[%dma_wait3A_845, %dma_wait3A_846, %dma_wait3A_847, %dma_wait3A_848] : memref<32x9x9x32xf32, #tpu.memory_space<vmem>> -> memref<1x9x9x32xf32, #tpu.memory_space<vmem>>
        %dma_wait3A_850 = tpu.memref_squeeze %dma_wait3A_849 : memref<1x9x9x32xf32, #tpu.memory_space<vmem>> -> memref<9x9x32xf32, #tpu.memory_space<vmem>>
        %dma_wait3A_851 = arith.constant 0 : i32
        %dma_wait3A_852 = tpu.memref_slice %arg2[%squeeze3A_287, %squeeze3A_289, %dma_wait3A_851] : memref<6144x24x32xf32, #tpu.memory_space<hbm>> -> memref<9x9x32xf32, #tpu.memory_space<hbm>>
        %dma_wait3A_853 = arith.constant 0 : i32
        %dma_wait3A_854 = arith.constant 0 : i32
        %dma_wait3A_855 = arith.constant 0 : i32
        %dma_wait3A_856 = tpu.memref_slice %arg12[%dma_wait3A_845, %dma_wait3A_853, %dma_wait3A_854, %dma_wait3A_855] : memref<32x9x9x32xf32, #tpu.memory_space<vmem>> -> memref<1x9x9x32xf32, #tpu.memory_space<vmem>>
        %dma_wait3A_857 = tpu.memref_squeeze %dma_wait3A_856 : memref<1x9x9x32xf32, #tpu.memory_space<vmem>> -> memref<9x9x32xf32, #tpu.memory_space<vmem>>
        %dma_wait3A_858 = arith.constant 0 : i32
        %dma_wait3A_859 = tpu.memref_slice %arg2[%squeeze3A_287, %squeeze3A_289, %dma_wait3A_858] : memref<6144x24x32xf32, #tpu.memory_space<hbm>> -> memref<9x9x32xf32, #tpu.memory_space<hbm>>
        tpu.wait_dma2 semaphore(%arg13 : memref<!tpu.dma_semaphore, #tpu.memory_space<semaphore_mem>>) src(%dma_wait3A_859 : memref<9x9x32xf32, #tpu.memory_space<hbm>>) dst(%dma_wait3A_857 : memref<9x9x32xf32, #tpu.memory_space<vmem>>)
        %dma_wait3A_860 = arith.constant 13 : i32
        %dma_wait3A_861 = arith.constant 0 : i32
        %dma_wait3A_862 = arith.constant 0 : i32
        %dma_wait3A_863 = arith.constant 0 : i32
        %dma_wait3A_864 = tpu.memref_slice %arg12[%dma_wait3A_860, %dma_wait3A_861, %dma_wait3A_862, %dma_wait3A_863] : memref<32x9x9x32xf32, #tpu.memory_space<vmem>> -> memref<1x9x9x32xf32, #tpu.memory_space<vmem>>
        %dma_wait3A_865 = tpu.memref_squeeze %dma_wait3A_864 : memref<1x9x9x32xf32, #tpu.memory_space<vmem>> -> memref<9x9x32xf32, #tpu.memory_space<vmem>>
        %dma_wait3A_866 = arith.constant 0 : i32
        %dma_wait3A_867 = tpu.memref_slice %arg2[%squeeze3A_306, %squeeze3A_308, %dma_wait3A_866] : memref<6144x24x32xf32, #tpu.memory_space<hbm>> -> memref<9x9x32xf32, #tpu.memory_space<hbm>>
        %dma_wait3A_868 = arith.constant 0 : i32
        %dma_wait3A_869 = arith.constant 0 : i32
        %dma_wait3A_870 = arith.constant 0 : i32
        %dma_wait3A_871 = tpu.memref_slice %arg12[%dma_wait3A_860, %dma_wait3A_868, %dma_wait3A_869, %dma_wait3A_870] : memref<32x9x9x32xf32, #tpu.memory_space<vmem>> -> memref<1x9x9x32xf32, #tpu.memory_space<vmem>>
        %dma_wait3A_872 = tpu.memref_squeeze %dma_wait3A_871 : memref<1x9x9x32xf32, #tpu.memory_space<vmem>> -> memref<9x9x32xf32, #tpu.memory_space<vmem>>
        %dma_wait3A_873 = arith.constant 0 : i32
        %dma_wait3A_874 = tpu.memref_slice %arg2[%squeeze3A_306, %squeeze3A_308, %dma_wait3A_873] : memref<6144x24x32xf32, #tpu.memory_space<hbm>> -> memref<9x9x32xf32, #tpu.memory_space<hbm>>
        tpu.wait_dma2 semaphore(%arg13 : memref<!tpu.dma_semaphore, #tpu.memory_space<semaphore_mem>>) src(%dma_wait3A_874 : memref<9x9x32xf32, #tpu.memory_space<hbm>>) dst(%dma_wait3A_872 : memref<9x9x32xf32, #tpu.memory_space<vmem>>)
        %dma_wait3A_875 = arith.constant 14 : i32
        %dma_wait3A_876 = arith.constant 0 : i32
        %dma_wait3A_877 = arith.constant 0 : i32
        %dma_wait3A_878 = arith.constant 0 : i32
        %dma_wait3A_879 = tpu.memref_slice %arg12[%dma_wait3A_875, %dma_wait3A_876, %dma_wait3A_877, %dma_wait3A_878] : memref<32x9x9x32xf32, #tpu.memory_space<vmem>> -> memref<1x9x9x32xf32, #tpu.memory_space<vmem>>
        %dma_wait3A_880 = tpu.memref_squeeze %dma_wait3A_879 : memref<1x9x9x32xf32, #tpu.memory_space<vmem>> -> memref<9x9x32xf32, #tpu.memory_space<vmem>>
        %dma_wait3A_881 = arith.constant 0 : i32
        %dma_wait3A_882 = tpu.memref_slice %arg2[%squeeze3A_325, %squeeze3A_327, %dma_wait3A_881] : memref<6144x24x32xf32, #tpu.memory_space<hbm>> -> memref<9x9x32xf32, #tpu.memory_space<hbm>>
        %dma_wait3A_883 = arith.constant 0 : i32
        %dma_wait3A_884 = arith.constant 0 : i32
        %dma_wait3A_885 = arith.constant 0 : i32
        %dma_wait3A_886 = tpu.memref_slice %arg12[%dma_wait3A_875, %dma_wait3A_883, %dma_wait3A_884, %dma_wait3A_885] : memref<32x9x9x32xf32, #tpu.memory_space<vmem>> -> memref<1x9x9x32xf32, #tpu.memory_space<vmem>>
        %dma_wait3A_887 = tpu.memref_squeeze %dma_wait3A_886 : memref<1x9x9x32xf32, #tpu.memory_space<vmem>> -> memref<9x9x32xf32, #tpu.memory_space<vmem>>
        %dma_wait3A_888 = arith.constant 0 : i32
        %dma_wait3A_889 = tpu.memref_slice %arg2[%squeeze3A_325, %squeeze3A_327, %dma_wait3A_888] : memref<6144x24x32xf32, #tpu.memory_space<hbm>> -> memref<9x9x32xf32, #tpu.memory_space<hbm>>
        tpu.wait_dma2 semaphore(%arg13 : memref<!tpu.dma_semaphore, #tpu.memory_space<semaphore_mem>>) src(%dma_wait3A_889 : memref<9x9x32xf32, #tpu.memory_space<hbm>>) dst(%dma_wait3A_887 : memref<9x9x32xf32, #tpu.memory_space<vmem>>)
        %dma_wait3A_890 = arith.constant 15 : i32
        %dma_wait3A_891 = arith.constant 0 : i32
        %dma_wait3A_892 = arith.constant 0 : i32
        %dma_wait3A_893 = arith.constant 0 : i32
        %dma_wait3A_894 = tpu.memref_slice %arg12[%dma_wait3A_890, %dma_wait3A_891, %dma_wait3A_892, %dma_wait3A_893] : memref<32x9x9x32xf32, #tpu.memory_space<vmem>> -> memref<1x9x9x32xf32, #tpu.memory_space<vmem>>
        %dma_wait3A_895 = tpu.memref_squeeze %dma_wait3A_894 : memref<1x9x9x32xf32, #tpu.memory_space<vmem>> -> memref<9x9x32xf32, #tpu.memory_space<vmem>>
        %dma_wait3A_896 = arith.constant 0 : i32
        %dma_wait3A_897 = tpu.memref_slice %arg2[%squeeze3A_344, %squeeze3A_346, %dma_wait3A_896] : memref<6144x24x32xf32, #tpu.memory_space<hbm>> -> memref<9x9x32xf32, #tpu.memory_space<hbm>>
        %dma_wait3A_898 = arith.constant 0 : i32
        %dma_wait3A_899 = arith.constant 0 : i32
        %dma_wait3A_900 = arith.constant 0 : i32
        %dma_wait3A_901 = tpu.memref_slice %arg12[%dma_wait3A_890, %dma_wait3A_898, %dma_wait3A_899, %dma_wait3A_900] : memref<32x9x9x32xf32, #tpu.memory_space<vmem>> -> memref<1x9x9x32xf32, #tpu.memory_space<vmem>>
        %dma_wait3A_902 = tpu.memref_squeeze %dma_wait3A_901 : memref<1x9x9x32xf32, #tpu.memory_space<vmem>> -> memref<9x9x32xf32, #tpu.memory_space<vmem>>
        %dma_wait3A_903 = arith.constant 0 : i32
        %dma_wait3A_904 = tpu.memref_slice %arg2[%squeeze3A_344, %squeeze3A_346, %dma_wait3A_903] : memref<6144x24x32xf32, #tpu.memory_space<hbm>> -> memref<9x9x32xf32, #tpu.memory_space<hbm>>
        tpu.wait_dma2 semaphore(%arg13 : memref<!tpu.dma_semaphore, #tpu.memory_space<semaphore_mem>>) src(%dma_wait3A_904 : memref<9x9x32xf32, #tpu.memory_space<hbm>>) dst(%dma_wait3A_902 : memref<9x9x32xf32, #tpu.memory_space<vmem>>)
        %dma_wait3A_905 = arith.constant 16 : i32
        %dma_wait3A_906 = arith.constant 0 : i32
        %dma_wait3A_907 = arith.constant 0 : i32
        %dma_wait3A_908 = arith.constant 0 : i32
        %dma_wait3A_909 = tpu.memref_slice %arg12[%dma_wait3A_905, %dma_wait3A_906, %dma_wait3A_907, %dma_wait3A_908] : memref<32x9x9x32xf32, #tpu.memory_space<vmem>> -> memref<1x9x9x32xf32, #tpu.memory_space<vmem>>
        %dma_wait3A_910 = tpu.memref_squeeze %dma_wait3A_909 : memref<1x9x9x32xf32, #tpu.memory_space<vmem>> -> memref<9x9x32xf32, #tpu.memory_space<vmem>>
        %dma_wait3A_911 = arith.constant 0 : i32
        %dma_wait3A_912 = tpu.memref_slice %arg2[%squeeze3A_363, %squeeze3A_365, %dma_wait3A_911] : memref<6144x24x32xf32, #tpu.memory_space<hbm>> -> memref<9x9x32xf32, #tpu.memory_space<hbm>>
        %dma_wait3A_913 = arith.constant 0 : i32
        %dma_wait3A_914 = arith.constant 0 : i32
        %dma_wait3A_915 = arith.constant 0 : i32
        %dma_wait3A_916 = tpu.memref_slice %arg12[%dma_wait3A_905, %dma_wait3A_913, %dma_wait3A_914, %dma_wait3A_915] : memref<32x9x9x32xf32, #tpu.memory_space<vmem>> -> memref<1x9x9x32xf32, #tpu.memory_space<vmem>>
        %dma_wait3A_917 = tpu.memref_squeeze %dma_wait3A_916 : memref<1x9x9x32xf32, #tpu.memory_space<vmem>> -> memref<9x9x32xf32, #tpu.memory_space<vmem>>
        %dma_wait3A_918 = arith.constant 0 : i32
        %dma_wait3A_919 = tpu.memref_slice %arg2[%squeeze3A_363, %squeeze3A_365, %dma_wait3A_918] : memref<6144x24x32xf32, #tpu.memory_space<hbm>> -> memref<9x9x32xf32, #tpu.memory_space<hbm>>
        tpu.wait_dma2 semaphore(%arg13 : memref<!tpu.dma_semaphore, #tpu.memory_space<semaphore_mem>>) src(%dma_wait3A_919 : memref<9x9x32xf32, #tpu.memory_space<hbm>>) dst(%dma_wait3A_917 : memref<9x9x32xf32, #tpu.memory_space<vmem>>)
        %dma_wait3A_920 = arith.constant 17 : i32
        %dma_wait3A_921 = arith.constant 0 : i32
        %dma_wait3A_922 = arith.constant 0 : i32
        %dma_wait3A_923 = arith.constant 0 : i32
        %dma_wait3A_924 = tpu.memref_slice %arg12[%dma_wait3A_920, %dma_wait3A_921, %dma_wait3A_922, %dma_wait3A_923] : memref<32x9x9x32xf32, #tpu.memory_space<vmem>> -> memref<1x9x9x32xf32, #tpu.memory_space<vmem>>
        %dma_wait3A_925 = tpu.memref_squeeze %dma_wait3A_924 : memref<1x9x9x32xf32, #tpu.memory_space<vmem>> -> memref<9x9x32xf32, #tpu.memory_space<vmem>>
        %dma_wait3A_926 = arith.constant 0 : i32
        %dma_wait3A_927 = tpu.memref_slice %arg2[%squeeze3A_382, %squeeze3A_384, %dma_wait3A_926] : memref<6144x24x32xf32, #tpu.memory_space<hbm>> -> memref<9x9x32xf32, #tpu.memory_space<hbm>>
        %dma_wait3A_928 = arith.constant 0 : i32
        %dma_wait3A_929 = arith.constant 0 : i32
        %dma_wait3A_930 = arith.constant 0 : i32
        %dma_wait3A_931 = tpu.memref_slice %arg12[%dma_wait3A_920, %dma_wait3A_928, %dma_wait3A_929, %dma_wait3A_930] : memref<32x9x9x32xf32, #tpu.memory_space<vmem>> -> memref<1x9x9x32xf32, #tpu.memory_space<vmem>>
        %dma_wait3A_932 = tpu.memref_squeeze %dma_wait3A_931 : memref<1x9x9x32xf32, #tpu.memory_space<vmem>> -> memref<9x9x32xf32, #tpu.memory_space<vmem>>
        %dma_wait3A_933 = arith.constant 0 : i32
        %dma_wait3A_934 = tpu.memref_slice %arg2[%squeeze3A_382, %squeeze3A_384, %dma_wait3A_933] : memref<6144x24x32xf32, #tpu.memory_space<hbm>> -> memref<9x9x32xf32, #tpu.memory_space<hbm>>
        tpu.wait_dma2 semaphore(%arg13 : memref<!tpu.dma_semaphore, #tpu.memory_space<semaphore_mem>>) src(%dma_wait3A_934 : memref<9x9x32xf32, #tpu.memory_space<hbm>>) dst(%dma_wait3A_932 : memref<9x9x32xf32, #tpu.memory_space<vmem>>)
        %dma_wait3A_935 = arith.constant 18 : i32
        %dma_wait3A_936 = arith.constant 0 : i32
        %dma_wait3A_937 = arith.constant 0 : i32
        %dma_wait3A_938 = arith.constant 0 : i32
        %dma_wait3A_939 = tpu.memref_slice %arg12[%dma_wait3A_935, %dma_wait3A_936, %dma_wait3A_937, %dma_wait3A_938] : memref<32x9x9x32xf32, #tpu.memory_space<vmem>> -> memref<1x9x9x32xf32, #tpu.memory_space<vmem>>
        %dma_wait3A_940 = tpu.memref_squeeze %dma_wait3A_939 : memref<1x9x9x32xf32, #tpu.memory_space<vmem>> -> memref<9x9x32xf32, #tpu.memory_space<vmem>>
        %dma_wait3A_941 = arith.constant 0 : i32
        %dma_wait3A_942 = tpu.memref_slice %arg2[%squeeze3A_401, %squeeze3A_403, %dma_wait3A_941] : memref<6144x24x32xf32, #tpu.memory_space<hbm>> -> memref<9x9x32xf32, #tpu.memory_space<hbm>>
        %dma_wait3A_943 = arith.constant 0 : i32
        %dma_wait3A_944 = arith.constant 0 : i32
        %dma_wait3A_945 = arith.constant 0 : i32
        %dma_wait3A_946 = tpu.memref_slice %arg12[%dma_wait3A_935, %dma_wait3A_943, %dma_wait3A_944, %dma_wait3A_945] : memref<32x9x9x32xf32, #tpu.memory_space<vmem>> -> memref<1x9x9x32xf32, #tpu.memory_space<vmem>>
        %dma_wait3A_947 = tpu.memref_squeeze %dma_wait3A_946 : memref<1x9x9x32xf32, #tpu.memory_space<vmem>> -> memref<9x9x32xf32, #tpu.memory_space<vmem>>
        %dma_wait3A_948 = arith.constant 0 : i32
        %dma_wait3A_949 = tpu.memref_slice %arg2[%squeeze3A_401, %squeeze3A_403, %dma_wait3A_948] : memref<6144x24x32xf32, #tpu.memory_space<hbm>> -> memref<9x9x32xf32, #tpu.memory_space<hbm>>
        tpu.wait_dma2 semaphore(%arg13 : memref<!tpu.dma_semaphore, #tpu.memory_space<semaphore_mem>>) src(%dma_wait3A_949 : memref<9x9x32xf32, #tpu.memory_space<hbm>>) dst(%dma_wait3A_947 : memref<9x9x32xf32, #tpu.memory_space<vmem>>)
        %dma_wait3A_950 = arith.constant 19 : i32
        %dma_wait3A_951 = arith.constant 0 : i32
        %dma_wait3A_952 = arith.constant 0 : i32
        %dma_wait3A_953 = arith.constant 0 : i32
        %dma_wait3A_954 = tpu.memref_slice %arg12[%dma_wait3A_950, %dma_wait3A_951, %dma_wait3A_952, %dma_wait3A_953] : memref<32x9x9x32xf32, #tpu.memory_space<vmem>> -> memref<1x9x9x32xf32, #tpu.memory_space<vmem>>
        %dma_wait3A_955 = tpu.memref_squeeze %dma_wait3A_954 : memref<1x9x9x32xf32, #tpu.memory_space<vmem>> -> memref<9x9x32xf32, #tpu.memory_space<vmem>>
        %dma_wait3A_956 = arith.constant 0 : i32
        %dma_wait3A_957 = tpu.memref_slice %arg2[%squeeze3A_420, %squeeze3A_422, %dma_wait3A_956] : memref<6144x24x32xf32, #tpu.memory_space<hbm>> -> memref<9x9x32xf32, #tpu.memory_space<hbm>>
        %dma_wait3A_958 = arith.constant 0 : i32
        %dma_wait3A_959 = arith.constant 0 : i32
        %dma_wait3A_960 = arith.constant 0 : i32
        %dma_wait3A_961 = tpu.memref_slice %arg12[%dma_wait3A_950, %dma_wait3A_958, %dma_wait3A_959, %dma_wait3A_960] : memref<32x9x9x32xf32, #tpu.memory_space<vmem>> -> memref<1x9x9x32xf32, #tpu.memory_space<vmem>>
        %dma_wait3A_962 = tpu.memref_squeeze %dma_wait3A_961 : memref<1x9x9x32xf32, #tpu.memory_space<vmem>> -> memref<9x9x32xf32, #tpu.memory_space<vmem>>
        %dma_wait3A_963 = arith.constant 0 : i32
        %dma_wait3A_964 = tpu.memref_slice %arg2[%squeeze3A_420, %squeeze3A_422, %dma_wait3A_963] : memref<6144x24x32xf32, #tpu.memory_space<hbm>> -> memref<9x9x32xf32, #tpu.memory_space<hbm>>
        tpu.wait_dma2 semaphore(%arg13 : memref<!tpu.dma_semaphore, #tpu.memory_space<semaphore_mem>>) src(%dma_wait3A_964 : memref<9x9x32xf32, #tpu.memory_space<hbm>>) dst(%dma_wait3A_962 : memref<9x9x32xf32, #tpu.memory_space<vmem>>)
        %dma_wait3A_965 = arith.constant 20 : i32
        %dma_wait3A_966 = arith.constant 0 : i32
        %dma_wait3A_967 = arith.constant 0 : i32
        %dma_wait3A_968 = arith.constant 0 : i32
        %dma_wait3A_969 = tpu.memref_slice %arg12[%dma_wait3A_965, %dma_wait3A_966, %dma_wait3A_967, %dma_wait3A_968] : memref<32x9x9x32xf32, #tpu.memory_space<vmem>> -> memref<1x9x9x32xf32, #tpu.memory_space<vmem>>
        %dma_wait3A_970 = tpu.memref_squeeze %dma_wait3A_969 : memref<1x9x9x32xf32, #tpu.memory_space<vmem>> -> memref<9x9x32xf32, #tpu.memory_space<vmem>>
        %dma_wait3A_971 = arith.constant 0 : i32
        %dma_wait3A_972 = tpu.memref_slice %arg2[%squeeze3A_439, %squeeze3A_441, %dma_wait3A_971] : memref<6144x24x32xf32, #tpu.memory_space<hbm>> -> memref<9x9x32xf32, #tpu.memory_space<hbm>>
        %dma_wait3A_973 = arith.constant 0 : i32
        %dma_wait3A_974 = arith.constant 0 : i32
        %dma_wait3A_975 = arith.constant 0 : i32
        %dma_wait3A_976 = tpu.memref_slice %arg12[%dma_wait3A_965, %dma_wait3A_973, %dma_wait3A_974, %dma_wait3A_975] : memref<32x9x9x32xf32, #tpu.memory_space<vmem>> -> memref<1x9x9x32xf32, #tpu.memory_space<vmem>>
        %dma_wait3A_977 = tpu.memref_squeeze %dma_wait3A_976 : memref<1x9x9x32xf32, #tpu.memory_space<vmem>> -> memref<9x9x32xf32, #tpu.memory_space<vmem>>
        %dma_wait3A_978 = arith.constant 0 : i32
        %dma_wait3A_979 = tpu.memref_slice %arg2[%squeeze3A_439, %squeeze3A_441, %dma_wait3A_978] : memref<6144x24x32xf32, #tpu.memory_space<hbm>> -> memref<9x9x32xf32, #tpu.memory_space<hbm>>
        tpu.wait_dma2 semaphore(%arg13 : memref<!tpu.dma_semaphore, #tpu.memory_space<semaphore_mem>>) src(%dma_wait3A_979 : memref<9x9x32xf32, #tpu.memory_space<hbm>>) dst(%dma_wait3A_977 : memref<9x9x32xf32, #tpu.memory_space<vmem>>)
        %dma_wait3A_980 = arith.constant 21 : i32
        %dma_wait3A_981 = arith.constant 0 : i32
        %dma_wait3A_982 = arith.constant 0 : i32
        %dma_wait3A_983 = arith.constant 0 : i32
        %dma_wait3A_984 = tpu.memref_slice %arg12[%dma_wait3A_980, %dma_wait3A_981, %dma_wait3A_982, %dma_wait3A_983] : memref<32x9x9x32xf32, #tpu.memory_space<vmem>> -> memref<1x9x9x32xf32, #tpu.memory_space<vmem>>
        %dma_wait3A_985 = tpu.memref_squeeze %dma_wait3A_984 : memref<1x9x9x32xf32, #tpu.memory_space<vmem>> -> memref<9x9x32xf32, #tpu.memory_space<vmem>>
        %dma_wait3A_986 = arith.constant 0 : i32
        %dma_wait3A_987 = tpu.memref_slice %arg2[%squeeze3A_458, %squeeze3A_460, %dma_wait3A_986] : memref<6144x24x32xf32, #tpu.memory_space<hbm>> -> memref<9x9x32xf32, #tpu.memory_space<hbm>>
        %dma_wait3A_988 = arith.constant 0 : i32
        %dma_wait3A_989 = arith.constant 0 : i32
        %dma_wait3A_990 = arith.constant 0 : i32
        %dma_wait3A_991 = tpu.memref_slice %arg12[%dma_wait3A_980, %dma_wait3A_988, %dma_wait3A_989, %dma_wait3A_990] : memref<32x9x9x32xf32, #tpu.memory_space<vmem>> -> memref<1x9x9x32xf32, #tpu.memory_space<vmem>>
        %dma_wait3A_992 = tpu.memref_squeeze %dma_wait3A_991 : memref<1x9x9x32xf32, #tpu.memory_space<vmem>> -> memref<9x9x32xf32, #tpu.memory_space<vmem>>
        %dma_wait3A_993 = arith.constant 0 : i32
        %dma_wait3A_994 = tpu.memref_slice %arg2[%squeeze3A_458, %squeeze3A_460, %dma_wait3A_993] : memref<6144x24x32xf32, #tpu.memory_space<hbm>> -> memref<9x9x32xf32, #tpu.memory_space<hbm>>
        tpu.wait_dma2 semaphore(%arg13 : memref<!tpu.dma_semaphore, #tpu.memory_space<semaphore_mem>>) src(%dma_wait3A_994 : memref<9x9x32xf32, #tpu.memory_space<hbm>>) dst(%dma_wait3A_992 : memref<9x9x32xf32, #tpu.memory_space<vmem>>)
        %dma_wait3A_995 = arith.constant 22 : i32
        %dma_wait3A_996 = arith.constant 0 : i32
        %dma_wait3A_997 = arith.constant 0 : i32
        %dma_wait3A_998 = arith.constant 0 : i32
        %dma_wait3A_999 = tpu.memref_slice %arg12[%dma_wait3A_995, %dma_wait3A_996, %dma_wait3A_997, %dma_wait3A_998] : memref<32x9x9x32xf32, #tpu.memory_space<vmem>> -> memref<1x9x9x32xf32, #tpu.memory_space<vmem>>
        %dma_wait3A_1000 = tpu.memref_squeeze %dma_wait3A_999 : memref<1x9x9x32xf32, #tpu.memory_space<vmem>> -> memref<9x9x32xf32, #tpu.memory_space<vmem>>
        %dma_wait3A_1001 = arith.constant 0 : i32
        %dma_wait3A_1002 = tpu.memref_slice %arg2[%squeeze3A_477, %squeeze3A_479, %dma_wait3A_1001] : memref<6144x24x32xf32, #tpu.memory_space<hbm>> -> memref<9x9x32xf32, #tpu.memory_space<hbm>>
        %dma_wait3A_1003 = arith.constant 0 : i32
        %dma_wait3A_1004 = arith.constant 0 : i32
        %dma_wait3A_1005 = arith.constant 0 : i32
        %dma_wait3A_1006 = tpu.memref_slice %arg12[%dma_wait3A_995, %dma_wait3A_1003, %dma_wait3A_1004, %dma_wait3A_1005] : memref<32x9x9x32xf32, #tpu.memory_space<vmem>> -> memref<1x9x9x32xf32, #tpu.memory_space<vmem>>
        %dma_wait3A_1007 = tpu.memref_squeeze %dma_wait3A_1006 : memref<1x9x9x32xf32, #tpu.memory_space<vmem>> -> memref<9x9x32xf32, #tpu.memory_space<vmem>>
        %dma_wait3A_1008 = arith.constant 0 : i32
        %dma_wait3A_1009 = tpu.memref_slice %arg2[%squeeze3A_477, %squeeze3A_479, %dma_wait3A_1008] : memref<6144x24x32xf32, #tpu.memory_space<hbm>> -> memref<9x9x32xf32, #tpu.memory_space<hbm>>
        tpu.wait_dma2 semaphore(%arg13 : memref<!tpu.dma_semaphore, #tpu.memory_space<semaphore_mem>>) src(%dma_wait3A_1009 : memref<9x9x32xf32, #tpu.memory_space<hbm>>) dst(%dma_wait3A_1007 : memref<9x9x32xf32, #tpu.memory_space<vmem>>)
        %dma_wait3A_1010 = arith.constant 23 : i32
        %dma_wait3A_1011 = arith.constant 0 : i32
        %dma_wait3A_1012 = arith.constant 0 : i32
        %dma_wait3A_1013 = arith.constant 0 : i32
        %dma_wait3A_1014 = tpu.memref_slice %arg12[%dma_wait3A_1010, %dma_wait3A_1011, %dma_wait3A_1012, %dma_wait3A_1013] : memref<32x9x9x32xf32, #tpu.memory_space<vmem>> -> memref<1x9x9x32xf32, #tpu.memory_space<vmem>>
        %dma_wait3A_1015 = tpu.memref_squeeze %dma_wait3A_1014 : memref<1x9x9x32xf32, #tpu.memory_space<vmem>> -> memref<9x9x32xf32, #tpu.memory_space<vmem>>
        %dma_wait3A_1016 = arith.constant 0 : i32
        %dma_wait3A_1017 = tpu.memref_slice %arg2[%squeeze3A_496, %squeeze3A_498, %dma_wait3A_1016] : memref<6144x24x32xf32, #tpu.memory_space<hbm>> -> memref<9x9x32xf32, #tpu.memory_space<hbm>>
        %dma_wait3A_1018 = arith.constant 0 : i32
        %dma_wait3A_1019 = arith.constant 0 : i32
        %dma_wait3A_1020 = arith.constant 0 : i32
        %dma_wait3A_1021 = tpu.memref_slice %arg12[%dma_wait3A_1010, %dma_wait3A_1018, %dma_wait3A_1019, %dma_wait3A_1020] : memref<32x9x9x32xf32, #tpu.memory_space<vmem>> -> memref<1x9x9x32xf32, #tpu.memory_space<vmem>>
        %dma_wait3A_1022 = tpu.memref_squeeze %dma_wait3A_1021 : memref<1x9x9x32xf32, #tpu.memory_space<vmem>> -> memref<9x9x32xf32, #tpu.memory_space<vmem>>
        %dma_wait3A_1023 = arith.constant 0 : i32
        %dma_wait3A_1024 = tpu.memref_slice %arg2[%squeeze3A_496, %squeeze3A_498, %dma_wait3A_1023] : memref<6144x24x32xf32, #tpu.memory_space<hbm>> -> memref<9x9x32xf32, #tpu.memory_space<hbm>>
        tpu.wait_dma2 semaphore(%arg13 : memref<!tpu.dma_semaphore, #tpu.memory_space<semaphore_mem>>) src(%dma_wait3A_1024 : memref<9x9x32xf32, #tpu.memory_space<hbm>>) dst(%dma_wait3A_1022 : memref<9x9x32xf32, #tpu.memory_space<vmem>>)
        %dma_wait3A_1025 = arith.constant 24 : i32
        %dma_wait3A_1026 = arith.constant 0 : i32
        %dma_wait3A_1027 = arith.constant 0 : i32
        %dma_wait3A_1028 = arith.constant 0 : i32
        %dma_wait3A_1029 = tpu.memref_slice %arg12[%dma_wait3A_1025, %dma_wait3A_1026, %dma_wait3A_1027, %dma_wait3A_1028] : memref<32x9x9x32xf32, #tpu.memory_space<vmem>> -> memref<1x9x9x32xf32, #tpu.memory_space<vmem>>
        %dma_wait3A_1030 = tpu.memref_squeeze %dma_wait3A_1029 : memref<1x9x9x32xf32, #tpu.memory_space<vmem>> -> memref<9x9x32xf32, #tpu.memory_space<vmem>>
        %dma_wait3A_1031 = arith.constant 0 : i32
        %dma_wait3A_1032 = tpu.memref_slice %arg2[%squeeze3A_515, %squeeze3A_517, %dma_wait3A_1031] : memref<6144x24x32xf32, #tpu.memory_space<hbm>> -> memref<9x9x32xf32, #tpu.memory_space<hbm>>
        %dma_wait3A_1033 = arith.constant 0 : i32
        %dma_wait3A_1034 = arith.constant 0 : i32
        %dma_wait3A_1035 = arith.constant 0 : i32
        %dma_wait3A_1036 = tpu.memref_slice %arg12[%dma_wait3A_1025, %dma_wait3A_1033, %dma_wait3A_1034, %dma_wait3A_1035] : memref<32x9x9x32xf32, #tpu.memory_space<vmem>> -> memref<1x9x9x32xf32, #tpu.memory_space<vmem>>
        %dma_wait3A_1037 = tpu.memref_squeeze %dma_wait3A_1036 : memref<1x9x9x32xf32, #tpu.memory_space<vmem>> -> memref<9x9x32xf32, #tpu.memory_space<vmem>>
        %dma_wait3A_1038 = arith.constant 0 : i32
        %dma_wait3A_1039 = tpu.memref_slice %arg2[%squeeze3A_515, %squeeze3A_517, %dma_wait3A_1038] : memref<6144x24x32xf32, #tpu.memory_space<hbm>> -> memref<9x9x32xf32, #tpu.memory_space<hbm>>
        tpu.wait_dma2 semaphore(%arg13 : memref<!tpu.dma_semaphore, #tpu.memory_space<semaphore_mem>>) src(%dma_wait3A_1039 : memref<9x9x32xf32, #tpu.memory_space<hbm>>) dst(%dma_wait3A_1037 : memref<9x9x32xf32, #tpu.memory_space<vmem>>)
        %dma_wait3A_1040 = arith.constant 25 : i32
        %dma_wait3A_1041 = arith.constant 0 : i32
        %dma_wait3A_1042 = arith.constant 0 : i32
        %dma_wait3A_1043 = arith.constant 0 : i32
        %dma_wait3A_1044 = tpu.memref_slice %arg12[%dma_wait3A_1040, %dma_wait3A_1041, %dma_wait3A_1042, %dma_wait3A_1043] : memref<32x9x9x32xf32, #tpu.memory_space<vmem>> -> memref<1x9x9x32xf32, #tpu.memory_space<vmem>>
        %dma_wait3A_1045 = tpu.memref_squeeze %dma_wait3A_1044 : memref<1x9x9x32xf32, #tpu.memory_space<vmem>> -> memref<9x9x32xf32, #tpu.memory_space<vmem>>
        %dma_wait3A_1046 = arith.constant 0 : i32
        %dma_wait3A_1047 = tpu.memref_slice %arg2[%squeeze3A_534, %squeeze3A_536, %dma_wait3A_1046] : memref<6144x24x32xf32, #tpu.memory_space<hbm>> -> memref<9x9x32xf32, #tpu.memory_space<hbm>>
        %dma_wait3A_1048 = arith.constant 0 : i32
        %dma_wait3A_1049 = arith.constant 0 : i32
        %dma_wait3A_1050 = arith.constant 0 : i32
        %dma_wait3A_1051 = tpu.memref_slice %arg12[%dma_wait3A_1040, %dma_wait3A_1048, %dma_wait3A_1049, %dma_wait3A_1050] : memref<32x9x9x32xf32, #tpu.memory_space<vmem>> -> memref<1x9x9x32xf32, #tpu.memory_space<vmem>>
        %dma_wait3A_1052 = tpu.memref_squeeze %dma_wait3A_1051 : memref<1x9x9x32xf32, #tpu.memory_space<vmem>> -> memref<9x9x32xf32, #tpu.memory_space<vmem>>
        %dma_wait3A_1053 = arith.constant 0 : i32
        %dma_wait3A_1054 = tpu.memref_slice %arg2[%squeeze3A_534, %squeeze3A_536, %dma_wait3A_1053] : memref<6144x24x32xf32, #tpu.memory_space<hbm>> -> memref<9x9x32xf32, #tpu.memory_space<hbm>>
        tpu.wait_dma2 semaphore(%arg13 : memref<!tpu.dma_semaphore, #tpu.memory_space<semaphore_mem>>) src(%dma_wait3A_1054 : memref<9x9x32xf32, #tpu.memory_space<hbm>>) dst(%dma_wait3A_1052 : memref<9x9x32xf32, #tpu.memory_space<vmem>>)
        %dma_wait3A_1055 = arith.constant 26 : i32
        %dma_wait3A_1056 = arith.constant 0 : i32
        %dma_wait3A_1057 = arith.constant 0 : i32
        %dma_wait3A_1058 = arith.constant 0 : i32
        %dma_wait3A_1059 = tpu.memref_slice %arg12[%dma_wait3A_1055, %dma_wait3A_1056, %dma_wait3A_1057, %dma_wait3A_1058] : memref<32x9x9x32xf32, #tpu.memory_space<vmem>> -> memref<1x9x9x32xf32, #tpu.memory_space<vmem>>
        %dma_wait3A_1060 = tpu.memref_squeeze %dma_wait3A_1059 : memref<1x9x9x32xf32, #tpu.memory_space<vmem>> -> memref<9x9x32xf32, #tpu.memory_space<vmem>>
        %dma_wait3A_1061 = arith.constant 0 : i32
        %dma_wait3A_1062 = tpu.memref_slice %arg2[%squeeze3A_553, %squeeze3A_555, %dma_wait3A_1061] : memref<6144x24x32xf32, #tpu.memory_space<hbm>> -> memref<9x9x32xf32, #tpu.memory_space<hbm>>
        %dma_wait3A_1063 = arith.constant 0 : i32
        %dma_wait3A_1064 = arith.constant 0 : i32
        %dma_wait3A_1065 = arith.constant 0 : i32
        %dma_wait3A_1066 = tpu.memref_slice %arg12[%dma_wait3A_1055, %dma_wait3A_1063, %dma_wait3A_1064, %dma_wait3A_1065] : memref<32x9x9x32xf32, #tpu.memory_space<vmem>> -> memref<1x9x9x32xf32, #tpu.memory_space<vmem>>
        %dma_wait3A_1067 = tpu.memref_squeeze %dma_wait3A_1066 : memref<1x9x9x32xf32, #tpu.memory_space<vmem>> -> memref<9x9x32xf32, #tpu.memory_space<vmem>>
        %dma_wait3A_1068 = arith.constant 0 : i32
        %dma_wait3A_1069 = tpu.memref_slice %arg2[%squeeze3A_553, %squeeze3A_555, %dma_wait3A_1068] : memref<6144x24x32xf32, #tpu.memory_space<hbm>> -> memref<9x9x32xf32, #tpu.memory_space<hbm>>
        tpu.wait_dma2 semaphore(%arg13 : memref<!tpu.dma_semaphore, #tpu.memory_space<semaphore_mem>>) src(%dma_wait3A_1069 : memref<9x9x32xf32, #tpu.memory_space<hbm>>) dst(%dma_wait3A_1067 : memref<9x9x32xf32, #tpu.memory_space<vmem>>)
        %dma_wait3A_1070 = arith.constant 27 : i32
        %dma_wait3A_1071 = arith.constant 0 : i32
        %dma_wait3A_1072 = arith.constant 0 : i32
        %dma_wait3A_1073 = arith.constant 0 : i32
        %dma_wait3A_1074 = tpu.memref_slice %arg12[%dma_wait3A_1070, %dma_wait3A_1071, %dma_wait3A_1072, %dma_wait3A_1073] : memref<32x9x9x32xf32, #tpu.memory_space<vmem>> -> memref<1x9x9x32xf32, #tpu.memory_space<vmem>>
        %dma_wait3A_1075 = tpu.memref_squeeze %dma_wait3A_1074 : memref<1x9x9x32xf32, #tpu.memory_space<vmem>> -> memref<9x9x32xf32, #tpu.memory_space<vmem>>
        %dma_wait3A_1076 = arith.constant 0 : i32
        %dma_wait3A_1077 = tpu.memref_slice %arg2[%squeeze3A_572, %squeeze3A_574, %dma_wait3A_1076] : memref<6144x24x32xf32, #tpu.memory_space<hbm>> -> memref<9x9x32xf32, #tpu.memory_space<hbm>>
        %dma_wait3A_1078 = arith.constant 0 : i32
        %dma_wait3A_1079 = arith.constant 0 : i32
        %dma_wait3A_1080 = arith.constant 0 : i32
        %dma_wait3A_1081 = tpu.memref_slice %arg12[%dma_wait3A_1070, %dma_wait3A_1078, %dma_wait3A_1079, %dma_wait3A_1080] : memref<32x9x9x32xf32, #tpu.memory_space<vmem>> -> memref<1x9x9x32xf32, #tpu.memory_space<vmem>>
        %dma_wait3A_1082 = tpu.memref_squeeze %dma_wait3A_1081 : memref<1x9x9x32xf32, #tpu.memory_space<vmem>> -> memref<9x9x32xf32, #tpu.memory_space<vmem>>
        %dma_wait3A_1083 = arith.constant 0 : i32
        %dma_wait3A_1084 = tpu.memref_slice %arg2[%squeeze3A_572, %squeeze3A_574, %dma_wait3A_1083] : memref<6144x24x32xf32, #tpu.memory_space<hbm>> -> memref<9x9x32xf32, #tpu.memory_space<hbm>>
        tpu.wait_dma2 semaphore(%arg13 : memref<!tpu.dma_semaphore, #tpu.memory_space<semaphore_mem>>) src(%dma_wait3A_1084 : memref<9x9x32xf32, #tpu.memory_space<hbm>>) dst(%dma_wait3A_1082 : memref<9x9x32xf32, #tpu.memory_space<vmem>>)
        %dma_wait3A_1085 = arith.constant 28 : i32
        %dma_wait3A_1086 = arith.constant 0 : i32
        %dma_wait3A_1087 = arith.constant 0 : i32
        %dma_wait3A_1088 = arith.constant 0 : i32
        %dma_wait3A_1089 = tpu.memref_slice %arg12[%dma_wait3A_1085, %dma_wait3A_1086, %dma_wait3A_1087, %dma_wait3A_1088] : memref<32x9x9x32xf32, #tpu.memory_space<vmem>> -> memref<1x9x9x32xf32, #tpu.memory_space<vmem>>
        %dma_wait3A_1090 = tpu.memref_squeeze %dma_wait3A_1089 : memref<1x9x9x32xf32, #tpu.memory_space<vmem>> -> memref<9x9x32xf32, #tpu.memory_space<vmem>>
        %dma_wait3A_1091 = arith.constant 0 : i32
        %dma_wait3A_1092 = tpu.memref_slice %arg2[%squeeze3A_591, %squeeze3A_593, %dma_wait3A_1091] : memref<6144x24x32xf32, #tpu.memory_space<hbm>> -> memref<9x9x32xf32, #tpu.memory_space<hbm>>
        %dma_wait3A_1093 = arith.constant 0 : i32
        %dma_wait3A_1094 = arith.constant 0 : i32
        %dma_wait3A_1095 = arith.constant 0 : i32
        %dma_wait3A_1096 = tpu.memref_slice %arg12[%dma_wait3A_1085, %dma_wait3A_1093, %dma_wait3A_1094, %dma_wait3A_1095] : memref<32x9x9x32xf32, #tpu.memory_space<vmem>> -> memref<1x9x9x32xf32, #tpu.memory_space<vmem>>
        %dma_wait3A_1097 = tpu.memref_squeeze %dma_wait3A_1096 : memref<1x9x9x32xf32, #tpu.memory_space<vmem>> -> memref<9x9x32xf32, #tpu.memory_space<vmem>>
        %dma_wait3A_1098 = arith.constant 0 : i32
        %dma_wait3A_1099 = tpu.memref_slice %arg2[%squeeze3A_591, %squeeze3A_593, %dma_wait3A_1098] : memref<6144x24x32xf32, #tpu.memory_space<hbm>> -> memref<9x9x32xf32, #tpu.memory_space<hbm>>
        tpu.wait_dma2 semaphore(%arg13 : memref<!tpu.dma_semaphore, #tpu.memory_space<semaphore_mem>>) src(%dma_wait3A_1099 : memref<9x9x32xf32, #tpu.memory_space<hbm>>) dst(%dma_wait3A_1097 : memref<9x9x32xf32, #tpu.memory_space<vmem>>)
        %dma_wait3A_1100 = arith.constant 29 : i32
        %dma_wait3A_1101 = arith.constant 0 : i32
        %dma_wait3A_1102 = arith.constant 0 : i32
        %dma_wait3A_1103 = arith.constant 0 : i32
        %dma_wait3A_1104 = tpu.memref_slice %arg12[%dma_wait3A_1100, %dma_wait3A_1101, %dma_wait3A_1102, %dma_wait3A_1103] : memref<32x9x9x32xf32, #tpu.memory_space<vmem>> -> memref<1x9x9x32xf32, #tpu.memory_space<vmem>>
        %dma_wait3A_1105 = tpu.memref_squeeze %dma_wait3A_1104 : memref<1x9x9x32xf32, #tpu.memory_space<vmem>> -> memref<9x9x32xf32, #tpu.memory_space<vmem>>
        %dma_wait3A_1106 = arith.constant 0 : i32
        %dma_wait3A_1107 = tpu.memref_slice %arg2[%squeeze3A_610, %squeeze3A_612, %dma_wait3A_1106] : memref<6144x24x32xf32, #tpu.memory_space<hbm>> -> memref<9x9x32xf32, #tpu.memory_space<hbm>>
        %dma_wait3A_1108 = arith.constant 0 : i32
        %dma_wait3A_1109 = arith.constant 0 : i32
        %dma_wait3A_1110 = arith.constant 0 : i32
        %dma_wait3A_1111 = tpu.memref_slice %arg12[%dma_wait3A_1100, %dma_wait3A_1108, %dma_wait3A_1109, %dma_wait3A_1110] : memref<32x9x9x32xf32, #tpu.memory_space<vmem>> -> memref<1x9x9x32xf32, #tpu.memory_space<vmem>>
        %dma_wait3A_1112 = tpu.memref_squeeze %dma_wait3A_1111 : memref<1x9x9x32xf32, #tpu.memory_space<vmem>> -> memref<9x9x32xf32, #tpu.memory_space<vmem>>
        %dma_wait3A_1113 = arith.constant 0 : i32
        %dma_wait3A_1114 = tpu.memref_slice %arg2[%squeeze3A_610, %squeeze3A_612, %dma_wait3A_1113] : memref<6144x24x32xf32, #tpu.memory_space<hbm>> -> memref<9x9x32xf32, #tpu.memory_space<hbm>>
        tpu.wait_dma2 semaphore(%arg13 : memref<!tpu.dma_semaphore, #tpu.memory_space<semaphore_mem>>) src(%dma_wait3A_1114 : memref<9x9x32xf32, #tpu.memory_space<hbm>>) dst(%dma_wait3A_1112 : memref<9x9x32xf32, #tpu.memory_space<vmem>>)
        %dma_wait3A_1115 = arith.constant 30 : i32
        %dma_wait3A_1116 = arith.constant 0 : i32
        %dma_wait3A_1117 = arith.constant 0 : i32
        %dma_wait3A_1118 = arith.constant 0 : i32
        %dma_wait3A_1119 = tpu.memref_slice %arg12[%dma_wait3A_1115, %dma_wait3A_1116, %dma_wait3A_1117, %dma_wait3A_1118] : memref<32x9x9x32xf32, #tpu.memory_space<vmem>> -> memref<1x9x9x32xf32, #tpu.memory_space<vmem>>
        %dma_wait3A_1120 = tpu.memref_squeeze %dma_wait3A_1119 : memref<1x9x9x32xf32, #tpu.memory_space<vmem>> -> memref<9x9x32xf32, #tpu.memory_space<vmem>>
        %dma_wait3A_1121 = arith.constant 0 : i32
        %dma_wait3A_1122 = tpu.memref_slice %arg2[%squeeze3A_629, %squeeze3A_631, %dma_wait3A_1121] : memref<6144x24x32xf32, #tpu.memory_space<hbm>> -> memref<9x9x32xf32, #tpu.memory_space<hbm>>
        %dma_wait3A_1123 = arith.constant 0 : i32
        %dma_wait3A_1124 = arith.constant 0 : i32
        %dma_wait3A_1125 = arith.constant 0 : i32
        %dma_wait3A_1126 = tpu.memref_slice %arg12[%dma_wait3A_1115, %dma_wait3A_1123, %dma_wait3A_1124, %dma_wait3A_1125] : memref<32x9x9x32xf32, #tpu.memory_space<vmem>> -> memref<1x9x9x32xf32, #tpu.memory_space<vmem>>
        %dma_wait3A_1127 = tpu.memref_squeeze %dma_wait3A_1126 : memref<1x9x9x32xf32, #tpu.memory_space<vmem>> -> memref<9x9x32xf32, #tpu.memory_space<vmem>>
        %dma_wait3A_1128 = arith.constant 0 : i32
        %dma_wait3A_1129 = tpu.memref_slice %arg2[%squeeze3A_629, %squeeze3A_631, %dma_wait3A_1128] : memref<6144x24x32xf32, #tpu.memory_space<hbm>> -> memref<9x9x32xf32, #tpu.memory_space<hbm>>
        tpu.wait_dma2 semaphore(%arg13 : memref<!tpu.dma_semaphore, #tpu.memory_space<semaphore_mem>>) src(%dma_wait3A_1129 : memref<9x9x32xf32, #tpu.memory_space<hbm>>) dst(%dma_wait3A_1127 : memref<9x9x32xf32, #tpu.memory_space<vmem>>)
        %dma_wait3A_1130 = arith.constant 31 : i32
        %dma_wait3A_1131 = arith.constant 0 : i32
        %dma_wait3A_1132 = arith.constant 0 : i32
        %dma_wait3A_1133 = arith.constant 0 : i32
        %dma_wait3A_1134 = tpu.memref_slice %arg12[%dma_wait3A_1130, %dma_wait3A_1131, %dma_wait3A_1132, %dma_wait3A_1133] : memref<32x9x9x32xf32, #tpu.memory_space<vmem>> -> memref<1x9x9x32xf32, #tpu.memory_space<vmem>>
        %dma_wait3A_1135 = tpu.memref_squeeze %dma_wait3A_1134 : memref<1x9x9x32xf32, #tpu.memory_space<vmem>> -> memref<9x9x32xf32, #tpu.memory_space<vmem>>
        %dma_wait3A_1136 = arith.constant 0 : i32
        %dma_wait3A_1137 = tpu.memref_slice %arg2[%squeeze3A_648, %squeeze3A_650, %dma_wait3A_1136] : memref<6144x24x32xf32, #tpu.memory_space<hbm>> -> memref<9x9x32xf32, #tpu.memory_space<hbm>>
        %dma_wait3A_1138 = arith.constant 0 : i32
        %dma_wait3A_1139 = arith.constant 0 : i32
        %dma_wait3A_1140 = arith.constant 0 : i32
        %dma_wait3A_1141 = tpu.memref_slice %arg12[%dma_wait3A_1130, %dma_wait3A_1138, %dma_wait3A_1139, %dma_wait3A_1140] : memref<32x9x9x32xf32, #tpu.memory_space<vmem>> -> memref<1x9x9x32xf32, #tpu.memory_space<vmem>>
        %dma_wait3A_1142 = tpu.memref_squeeze %dma_wait3A_1141 : memref<1x9x9x32xf32, #tpu.memory_space<vmem>> -> memref<9x9x32xf32, #tpu.memory_space<vmem>>
        %dma_wait3A_1143 = arith.constant 0 : i32
        %dma_wait3A_1144 = tpu.memref_slice %arg2[%squeeze3A_648, %squeeze3A_650, %dma_wait3A_1143] : memref<6144x24x32xf32, #tpu.memory_space<hbm>> -> memref<9x9x32xf32, #tpu.memory_space<hbm>>
        tpu.wait_dma2 semaphore(%arg13 : memref<!tpu.dma_semaphore, #tpu.memory_space<semaphore_mem>>) src(%dma_wait3A_1144 : memref<9x9x32xf32, #tpu.memory_space<hbm>>) dst(%dma_wait3A_1142 : memref<9x9x32xf32, #tpu.memory_space<vmem>>)
        %add3A_1145 = arith.constant 32 : i32
        %add3A_1146 = arith.addi %add3A_11, %add3A_1145 : i32
        %le3A = arith.constant 5000 : i32
        %le3A_1147 = arith.cmpi sle, %add3A_1146, %le3A : i32
        %convert_element_type3A_1148 = arith.extui %le3A_1147 : i1 to i32
        %cond3A_1149 = arith.constant 0 : i32
        %cond3A_1150 = arith.cmpi ne, %convert_element_type3A_1148, %cond3A_1149 : i32
        scf.if %cond3A_1150 {
          "tpu.region"() ({
            %run_scoped3A = tpu.sem_alloc : memref<!tpu.dma_semaphore, #tpu.memory_space<semaphore_mem>>
            %dma_start3A_1157 = arith.constant 0 : i32
            %dma_start3A_1158 = arith.constant 0 : i32
            %dma_start3A_1159 = arith.constant 0 : i32
            %dma_start3A_1160 = tpu.memref_slice %arg7[%add3A_11, %dma_start3A_1157, %dma_start3A_1158, %dma_start3A_1159] : memref<5000x9x9x32xf32, #tpu.memory_space<hbm>> -> memref<32x9x9x32xf32, #tpu.memory_space<hbm>>
            %dma_start3A_1161 = arith.constant 0 : i32
            %dma_start3A_1162 = arith.constant 0 : i32
            %dma_start3A_1163 = arith.constant 0 : i32
            %dma_start3A_1164 = tpu.memref_slice %arg7[%add3A_11, %dma_start3A_1161, %dma_start3A_1162, %dma_start3A_1163] : memref<5000x9x9x32xf32, #tpu.memory_space<hbm>> -> memref<32x9x9x32xf32, #tpu.memory_space<hbm>>
            tpu.enqueue_dma source(%arg12 : memref<32x9x9x32xf32, #tpu.memory_space<vmem>>) target(%dma_start3A_1164 : memref<32x9x9x32xf32, #tpu.memory_space<hbm>>) target_semaphore(%run_scoped3A : memref<!tpu.dma_semaphore, #tpu.memory_space<semaphore_mem>>)
            %dma_wait3A_1165 = arith.constant 0 : i32
            %dma_wait3A_1166 = arith.constant 0 : i32
            %dma_wait3A_1167 = arith.constant 0 : i32
            %dma_wait3A_1168 = tpu.memref_slice %arg7[%add3A_11, %dma_wait3A_1165, %dma_wait3A_1166, %dma_wait3A_1167] : memref<5000x9x9x32xf32, #tpu.memory_space<hbm>> -> memref<32x9x9x32xf32, #tpu.memory_space<hbm>>
            %dma_wait3A_1169 = arith.constant 0 : i32
            %dma_wait3A_1170 = arith.constant 0 : i32
            %dma_wait3A_1171 = arith.constant 0 : i32
            %dma_wait3A_1172 = tpu.memref_slice %arg7[%add3A_11, %dma_wait3A_1169, %dma_wait3A_1170, %dma_wait3A_1171] : memref<5000x9x9x32xf32, #tpu.memory_space<hbm>> -> memref<32x9x9x32xf32, #tpu.memory_space<hbm>>
            tpu.wait_dma2 semaphore(%run_scoped3A : memref<!tpu.dma_semaphore, #tpu.memory_space<semaphore_mem>>) src(%arg12 : memref<32x9x9x32xf32, #tpu.memory_space<vmem>>) dst(%dma_wait3A_1172 : memref<32x9x9x32xf32, #tpu.memory_space<hbm>>)
            tpu.yield
          }) : () -> ()
        } else {
        }
        %add3A_1151 = arith.constant 32 : i32
        %add3A_1152 = arith.addi %add3A_11, %add3A_1151 : i32
        %gt3A = arith.constant 5000 : i32
        %gt3A_1153 = arith.cmpi sgt, %add3A_1152, %gt3A : i32
        %convert_element_type3A_1154 = arith.extui %gt3A_1153 : i1 to i32
        %cond3A_1155 = arith.constant 0 : i32
        %cond3A_1156 = arith.cmpi ne, %convert_element_type3A_1154, %cond3A_1155 : i32
        scf.if %cond3A_1156 {
          "tpu.region"() ({
            %run_scoped3A = tpu.sem_alloc : memref<!tpu.dma_semaphore, #tpu.memory_space<semaphore_mem>>
            %dma_start3A_1157 = arith.constant 0 : i32
            %dma_start3A_1158 = arith.constant 0 : i32
            %dma_start3A_1159 = arith.constant 0 : i32
            %dma_start3A_1160 = arith.constant 0 : i32
            %dma_start3A_1161 = tpu.memref_slice %arg12[%dma_start3A_1157, %dma_start3A_1158, %dma_start3A_1159, %dma_start3A_1160] : memref<32x9x9x32xf32, #tpu.memory_space<vmem>> -> memref<8x9x9x32xf32, #tpu.memory_space<vmem>>
            %dma_start3A_1162 = arith.constant 0 : i32
            %dma_start3A_1163 = arith.constant 0 : i32
            %dma_start3A_1164 = arith.constant 0 : i32
            %dma_start3A_1165 = tpu.memref_slice %arg7[%add3A_11, %dma_start3A_1162, %dma_start3A_1163, %dma_start3A_1164] : memref<5000x9x9x32xf32, #tpu.memory_space<hbm>> -> memref<8x9x9x32xf32, #tpu.memory_space<hbm>>
            %dma_start3A_1166 = arith.constant 0 : i32
            %dma_start3A_1167 = arith.constant 0 : i32
            %dma_start3A_1168 = arith.constant 0 : i32
            %dma_start3A_1169 = tpu.memref_slice %arg7[%add3A_11, %dma_start3A_1166, %dma_start3A_1167, %dma_start3A_1168] : memref<5000x9x9x32xf32, #tpu.memory_space<hbm>> -> memref<8x9x9x32xf32, #tpu.memory_space<hbm>>
            %dma_start3A_1170 = arith.constant 0 : i32
            %dma_start3A_1171 = arith.constant 0 : i32
            %dma_start3A_1172 = arith.constant 0 : i32
            %dma_start3A_1173 = arith.constant 0 : i32
            %dma_start3A_1174 = tpu.memref_slice %arg12[%dma_start3A_1170, %dma_start3A_1171, %dma_start3A_1172, %dma_start3A_1173] : memref<32x9x9x32xf32, #tpu.memory_space<vmem>> -> memref<8x9x9x32xf32, #tpu.memory_space<vmem>>
            tpu.enqueue_dma source(%dma_start3A_1174 : memref<8x9x9x32xf32, #tpu.memory_space<vmem>>) target(%dma_start3A_1169 : memref<8x9x9x32xf32, #tpu.memory_space<hbm>>) target_semaphore(%run_scoped3A : memref<!tpu.dma_semaphore, #tpu.memory_space<semaphore_mem>>)
            %dma_wait3A_1175 = arith.constant 0 : i32
            %dma_wait3A_1176 = arith.constant 0 : i32
            %dma_wait3A_1177 = arith.constant 0 : i32
            %dma_wait3A_1178 = arith.constant 0 : i32
            %dma_wait3A_1179 = tpu.memref_slice %arg12[%dma_wait3A_1175, %dma_wait3A_1176, %dma_wait3A_1177, %dma_wait3A_1178] : memref<32x9x9x32xf32, #tpu.memory_space<vmem>> -> memref<8x9x9x32xf32, #tpu.memory_space<vmem>>
            %dma_wait3A_1180 = arith.constant 0 : i32
            %dma_wait3A_1181 = arith.constant 0 : i32
            %dma_wait3A_1182 = arith.constant 0 : i32
            %dma_wait3A_1183 = tpu.memref_slice %arg7[%add3A_11, %dma_wait3A_1180, %dma_wait3A_1181, %dma_wait3A_1182] : memref<5000x9x9x32xf32, #tpu.memory_space<hbm>> -> memref<8x9x9x32xf32, #tpu.memory_space<hbm>>
            %dma_wait3A_1184 = arith.constant 0 : i32
            %dma_wait3A_1185 = arith.constant 0 : i32
            %dma_wait3A_1186 = arith.constant 0 : i32
            %dma_wait3A_1187 = tpu.memref_slice %arg7[%add3A_11, %dma_wait3A_1184, %dma_wait3A_1185, %dma_wait3A_1186] : memref<5000x9x9x32xf32, #tpu.memory_space<hbm>> -> memref<8x9x9x32xf32, #tpu.memory_space<hbm>>
            %dma_wait3A_1188 = arith.constant 0 : i32
            %dma_wait3A_1189 = arith.constant 0 : i32
            %dma_wait3A_1190 = arith.constant 0 : i32
            %dma_wait3A_1191 = arith.constant 0 : i32
            %dma_wait3A_1192 = tpu.memref_slice %arg12[%dma_wait3A_1188, %dma_wait3A_1189, %dma_wait3A_1190, %dma_wait3A_1191] : memref<32x9x9x32xf32, #tpu.memory_space<vmem>> -> memref<8x9x9x32xf32, #tpu.memory_space<vmem>>
            tpu.wait_dma2 semaphore(%run_scoped3A : memref<!tpu.dma_semaphore, #tpu.memory_space<semaphore_mem>>) src(%dma_wait3A_1192 : memref<8x9x9x32xf32, #tpu.memory_space<vmem>>) dst(%dma_wait3A_1187 : memref<8x9x9x32xf32, #tpu.memory_space<hbm>>)
            tpu.yield
          }) : () -> ()
        } else {
        }
      } else {
      }
    }
    %scan3A_7 = arith.constant 5 : i32
    return
  }
}

</mosaic_0001>

<sc_bundles>
// kernel: kernel.3.cloned.1.call-start
scs
__scs_entry_jumppad:
0x0: {  	(pc) =	sbr.rel $0x88, $3  }
0x1: {  	(tag) =	ssettag $0x0;
	lr =	simm.s32 $0x1  }
0x2: {  	[smem:$0x3F9F] =	sst lr;
	_ =	strace $0xD0000000  }
0x3: {  	_ = 	snop  }
0x4: {  	_ = 	snop  }
0x5: {  	_ = 	snop  }
0x6: {  	_ = 	snop  }
0x7: {  	_ = 	snop  }
__scs_overlays_trampoline_lowered:
0x8: {  	[smem:$0x3FAE] =	sst s0  }
0x9: {  	[smem:$0x3FAF] =	sst s1  }
0xa: {  	[smem:$0x3FB0] =	sst s2  }
0xb: {  	[smem:$0x3FB1] =	sst s3  }
0xc: {  	[smem:$0x3FB2] =	sst s4  }
0xd: {  	[smem:$0x3FB3] =	sst s5  }
0xe: {  	[smem:$0x3FB4] =	sst s6  }
0xf: {  	[smem:$0x3FB5] =	sst s7  }
0x10: {  	[smem:$0x3FB6] =	sst s8  }
0x11: {  	[smem:$0x3FB7] =	sst s9;
	s0 =	simm.s32 @!p0 $0x0  }
0x12: {  	s1 =	sld [smem:$0x3F9D];
	s0 =	simm.s32 @p0 $0x1  }
0x13: {  	[smem:$0x3FB8] =	sst s0;
	s0 =	simm.s32 @!p1 $0x0  }
0x14: {  	s2 =	sld [smem:$0x3F9C];
	s0 =	simm.s32 @p1 $0x1  }
0x15: {  	[smem:$0x3FB9] =	sst s0;
	s0 =	simm.s32 @!p2 $0x0  }
0x16: {  	s3 =	sld [smem:$0x3FDB];
	s0 =	simm.s32 @p2 $0x1  }
0x17: {  	s4 =	simm.s32 $0x1BF5;
	[smem:$0x3FBB] =	sst s0  }
0x18: {  	s0 =	sld [smem:$0x3F9E];
	_ =	swait.ge [sflag:s4], $0x0  }
0x19: {  	s7 =	sld [smem:$0x3F9F]  }
0x1a: {  	s8 =	sadd.s32 $0xFFFFE003, lr  }
0x1b: {  	s9 =	sadd.s32 $0xFFFFFEF7, lr;
	s5 =	simm.s32 $0xFFFFFFFF;
	p2 =	slt.u32 s8, $0xFFFFF086  }
0x1c: {  	p1 =	slt.u32 s9, $0xF7A;
	s5 =	simm.s32 @!p2 $0x0  }
0x1d: {  	s5 =	simm.s32 @p1 $0x1;
	p0 =	seq.s32 s7, s2  }
0x1e: {  	s7 =	smul.u32 @!p0 $0xF7A, s2;
	p2 =	seq.s32 @!p0 s5, $0x0  }
0x1f: {  	s9 =	smul.u32 $0xF7A, s1;
	s8 =	simm.s32 @!p0 $0x1BF5;
	p2 =	por !p2, p0  }
0x20: {  	[sflag:s8] =	ssyncset.s32 @!p0 $0xFFFFF086;
	s6 =	sadd.s32 @!p0 s3, s7;
	s7 =	simm.s32 @!p0 $0x108  }
0x21: {  	s3 =	sadd.s32 s3, s9;
	s6 =	sadd.s32 @!p0 $0x88, s6;
	s7 =	simm.s32 @p2 $0x1082  }
0x22: {  	[simem:s7], [sflag:s8] =	dma.local @!p0 [hbm:s6], $0xF7A  }
0x23: {  	s9 =	sor.u32 $0xD0000000, s2;
	s6 =	simm.s32 $0x108;
	_ =	swait.ge @!p0 [sflag:s8], $0x0  }
0x24: {  	s3 =	sadd.s32 $0x88, s3;
	s6 =	simm.s32 @!p1 $0x1082;
	[sflag:s4] =	ssyncset.s32 $0xFFFFF086  }
0x25: {  	[simem:s6], [sflag:s4] =	dma.local [hbm:s3], $0xF7A  }
0x26: {  	[smem:$0x3F9F] =	sst s1;
	(tag) =	ssettag s2;
	_ =	strace s9  }
0x27: {  	s1 =	sld [smem:$0x3FAF]  }
0x28: {  	s2 =	sld [smem:$0x3FB0]  }
0x29: {  	s4 =	sld [smem:$0x3FB2]  }
0x2a: {  	p0 =	seq.s32 s5, $0x0;
	s5 =	sld [smem:$0x3FB3]  }
0x2b: {  	s6 =	sld [smem:$0x3FB4]  }
0x2c: {  	s7 =	sld [smem:$0x3FB5]  }
0x2d: {  	s3 =	simm.s32 $0x108;
	s8 =	sld [smem:$0x3FB6]  }
0x2e: {  	s3 =	simm.s32 @!p0 $0x1082;
	s9 =	sld [smem:$0x3FB7]  }
0x2f: {  	lr =	sadd.s32 s0, s3;
	s0 =	sld [smem:$0x3FAE]  }
0x30: {  	s3 =	sld [smem:$0x3FB1]  }
0x31: {  	[smem:$0x3FBA] =	sst s10  }
0x32: {  	s10 =	sld [smem:$0x3FB8];
	_ =	sdelay $0x3  }
0x33: {  	p0 =	seq.s32 s10, $0x1;
	s10 =	sld [smem:$0x3FBA];
	_ =	sdelay $0x3  }
0x34: {  	[smem:$0x3FBA] =	sst s10  }
0x35: {  	s10 =	sld [smem:$0x3FB9];
	_ =	sdelay $0x3  }
0x36: {  	p1 =	seq.s32 s10, $0x1;
	s10 =	sld [smem:$0x3FBA];
	_ =	sdelay $0x3  }
0x37: {  	[smem:$0x3FBA] =	sst s10  }
0x38: {  	s10 =	sld [smem:$0x3FBB]  }
0x39: {  	_ = 	snop;
	(pc) =	sbr.ind lr, $3  }
0x3a: {  	_ = 	snop  }
0x3b: {  	_ = 	snop  }
0x3c: {  	p2 =	seq.s32 s10, $0x1;
	s10 =	sld [smem:$0x3FBA]  }
0x3d: {  	_ =	shalt  }
0x3e: {  	_ =	shalt  }
0x3f: {  	_ =	shalt  }
0x40: {  	_ =	shalt  }
0x41: {  	_ =	shalt  }
0x42: {  	_ =	shalt  }
0x43: {  	_ =	shalt  }
0x44: {  	_ =	shalt  }
0x45: {  	_ =	shalt  }
0x46: {  	_ =	shalt  }
0x47: {  	_ =	shalt  }
0x48: {  	_ =	shalt  }
0x49: {  	_ =	shalt  }
0x4a: {  	_ =	shalt  }
0x4b: {  	_ =	shalt  }
0x4c: {  	_ =	shalt  }
0x4d: {  	_ =	shalt  }
0x4e: {  	_ =	shalt  }
0x4f: {  	_ =	shalt  }
0x50: {  	_ =	shalt  }
0x51: {  	_ =	shalt  }
0x52: {  	_ =	shalt  }
0x53: {  	_ =	shalt  }
0x54: {  	_ =	shalt  }
0x55: {  	_ =	shalt  }
0x56: {  	_ =	shalt  }
0x57: {  	_ =	shalt  }
0x58: {  	_ =	shalt  }
0x59: {  	_ =	shalt  }
0x5a: {  	_ =	shalt  }
0x5b: {  	_ =	shalt  }
0x5c: {  	_ =	shalt  }
0x5d: {  	_ =	shalt  }
0x5e: {  	_ =	shalt  }
0x5f: {  	_ =	shalt  }
0x60: {  	_ =	shalt  }
0x61: {  	_ =	shalt  }
0x62: {  	_ =	shalt  }
0x63: {  	_ =	shalt  }
0x64: {  	_ =	shalt  }
0x65: {  	_ =	shalt  }
0x66: {  	_ =	shalt  }
0x67: {  	_ =	shalt  }
0x68: {  	_ =	shalt  }
0x69: {  	_ =	shalt  }
0x6a: {  	_ =	shalt  }
0x6b: {  	_ =	shalt  }
0x6c: {  	_ =	shalt  }
0x6d: {  	_ =	shalt  }
0x6e: {  	_ =	shalt  }
0x6f: {  	_ =	shalt  }
0x70: {  	_ =	shalt  }
0x71: {  	_ =	shalt  }
0x72: {  	_ =	shalt  }
0x73: {  	_ =	shalt  }
0x74: {  	_ =	shalt  }
0x75: {  	_ =	shalt  }
0x76: {  	_ =	shalt  }
0x77: {  	_ =	shalt  }
0x78: {  	_ =	shalt  }
0x79: {  	_ =	shalt  }
0x7a: {  	_ =	shalt  }
0x7b: {  	_ =	shalt  }
0x7c: {  	_ =	shalt  }
0x7d: {  	_ =	shalt  }
0x7e: {  	_ =	shalt  }
0x7f: {  	_ =	shalt  }
0x80: {  	_ =	shalt  }
0x81: {  	_ =	shalt  }
0x82: {  	_ =	shalt  }
0x83: {  	_ =	shalt  }
0x84: {  	_ =	shalt  }
0x85: {  	_ =	shalt  }
0x86: {  	_ =	shalt  }
0x87: {  	_ =	shalt  }
.Lfunc_end0:
.L_simem_size_0:
called_computation.1_lowered:
.L_overlay_start_0:
0x88: {  	s2 =	sld [smem:$0x3FD9]  }
0x89: {  	s3 =	sld [smem:$0x3FFE];
	_ =	sdelay $0x1  }
0x8a: {  	s1 =	srdreg.scid  }
0x8b: {  	s0 =	sand.u32 $0x1, s1  }
0x8c: {  	s17 =	sshll.u32 s0, $0xA;
	s2 =	sadd.s32 s3, s2  }
0x8d: {  	s2 =	sadd.s32 s2, s17  }
0x8e: {  	[smem:$0x3FC6] =	sst s2  }
0x8f: {  	_ = 	snop  }
0x90: {  	s2 =	sld [smem:$0x3FD0];
	(tm) =	ssettm $0x1  }
0x91: {  	s18 =	sld [smem:$0x3FFB];
	_ =	sdelay $0x3  }
0x92: {  	_ =	strace s18  }
0x93: {  	s3 =	sld [smem:$0x3FFC];
	_ =	sdelay $0x3  }
0x94: {  	_ =	strace s3  }
0x95: {  	s3 =	sld [smem:$0x3FFD];
	_ =	sdelay $0x3  }
0x96: {  	_ =	strace s3  }
0x97: {  	_ =	strace $0x8FFFFFFF  }
0x98: {  	s19 =	sld [smem:$0x3FDB];
	_ =	sdelay $0x1  }
0x99: {  	s4 =	simm.s32 $_scs_section_size  }
0x9a: {  	s5 =	simm.s32 $_size__tile_overlayer_lowered;
	s6 =	simm.s32 $_tile_overlayer_lowered  }
0x9b: {  	s22 =	simm.s32 $0x1BFF;
	s21 =	sshll.u32 s6, $0x1;
	s3 =	sadd.s32 s4, s19  }
0x9c: {  	s7 =	simm.s32 $0x0;
	s20 =	sshll.u32 s5, $0x1;
	s5 =	sadd.s32 s21, s3  }
0x9d: {  	[timem:s7], [sflag:s22] =	dma.local [hbm:s5], s20  }
0x9e: {  	_ =	swait.ge [sflag:s22], s20  }
0x9f: {  	s4 =	ssub.s32 $0x0, s20;
	[sflag:s22] =	ssyncset.done $0x0  }
0xa0: {  	[sflag:s22] =	ssyncadd.s32 s4;
	_ =	sdelay $0x1  }
0xa1: {  	s23 =	simm.s32 $0x1B8B  }
0xa2: {  	_ =	swait.ge [sflag:s23], $0x1  }
0xa3: {  	[sflag:s23] =	ssyncset.done $0x0  }
0xa4: {  	s25 =	simm.s32 $0x1B8E;
	s24 =	sld [smem:$0x3FFE];
	[sflag:s23] =	ssyncadd.s32 $0xFFFFFFFF  }
0xa5: {  	s26 =	simm.s32 $execute0_lowered;
	[smem:$0x3FD2] =	sst s25  }
0xa6: {  	s5 =	sshll.u32 s26, $0x1;
	_ =	strace $0x80000046;
	[dreg:$0x1] =	wrdreg $0xFFFFFFFF  }
0xa7: {  	s28 =	simm.s32 $_size_execute0_lowered;
	s3 =	sadd.s32 s3, s5;
	[dreg:$0x0] =	wrdreg $0x0  }
0xa8: {  	s5 =	sshll.u32 s28, $0x1;
	[dreg:$0x2] =	wrdreg s3  }
0xa9: {  	[dreg:$0x3] =	wrdreg s5  }
0xaa: {  	[dreg:$0x4] =	wrdreg $0xC0  }
0xab: {  	_ =	task [dreg:s7], $0x5FFFF  }
0xac: {  	[dreg:$0x1] =	wrdreg $0xFFFFFFFF  }
0xad: {  	[dreg:$0x0] =	wrdreg $0x60  }
0xae: {  	[dreg:$0x2] =	wrdreg s24  }
0xaf: {  	[dreg:$0x3] =	wrdreg s2  }
0xb0: {  	[dreg:$0x4] =	wrdreg $0x9  }
0xb1: {  	_ =	task.clear_ibuf [dreg:s7], $0x5FFFF;
	_ =	strace $0x90000046  }
0xb2: {  	s29 =	simm.s32 $0x9;
	_ =	strace $0x80000048  }
0xb3: {  	_ =	swait.ge [sflag:s29], $0x1  }
0xb4: {  	[sflag:s29] =	ssyncadd.s32 $0xFFFFFFFF  }
0xb5: {  	_ =	strace $0x90000048  }
0xb6: {  	_ =	sfence  }
0xb7: {  	s30 =	sld [smem:$0x0];
	_ =	sdelay $0x2  }
0xb8: {  	s31 =	sshll.u32 s1, $0xD;
	s1 =	sshrl.u32 s1, $0x2  }
0xb9: {  	s3 =	sand.u32 $0x4000, s31;
	s1 =	sadd.s32 s1, s30  }
0xba: {  	s0 =	sor.u32 s3, s0;
	s1 =	sshll.u32 s1, $0x11  }
0xbb: {  	s0 =	sor.u32 s1, s0  }
0xbc: {  	s0 =	sadd.s32 $0x8F2B, s0  }
0xbd: {  	[sflag:s0] =	ssyncadd.remote.s32 $0x1  }
0xbe: {  	_ =	sfence.sel $0xFFFF  }
0xbf: {  	[dreg:$0x0] =	wrdreg $0xFFFFFFFF;
	(pc) =	sbr.abs _section_cstart, $3  }
0xc0: {  	[dreg:$0x1] =	wrdreg $0xFFFFFFFF  }
0xc1: {  	_ =	task.clear_ibuf [dreg:s7], $0x2FFFF;
	_ =	strace $0x9FFFFFFF  }
0xc2: {  	(tm) =	ssettm $0x7FFFFFFF  }
0xc3: {  	_ =	shalt  }
tec
execute0_lowered:
.L_overlay_start_1:
0x0: {  	(tag) =	ssettag $0x1  }
0x1: {  	s0 =	rddreg [dreg:$0x0];
	s1 =	srdreg.scid  }
0x2: {  	s8 =	stileid.u32;
	s2 =	rddreg [dreg:$0x1];
	s4 =	simm.s32 $0x0  }
0x3: {  	s15 =	simm.s32 $0x120;
	s16 =	simm.s32 $0x300;
	s29 =	simm.s32 $0x71E0  }
0x4: {  	s30 =	simm.s32 $0x7C00;
	s31 =	simm.s32 $0x8620;
	s12 =	simm.s32 $0xA480  }
0x5: {  	s13 =	simm.s32 $0xAEA0;
	s14 =	simm.s32 $0xB8C0;
	s9 =	simm.s32 $0xF580  }
0x6: {  	s10 =	simm.s32 $0xFFA0;
	s11 =	simm.s32 $0x113E0;
	s17 =	simm.s32 $0x11E00  }
0x7: {  	s18 =	simm.s32 $0x12820;
	s1 =	sand.u32 $0x1, s1;
	s6 =	smul.u32 $0x140, s8  }
0x8: {  	s3 =	sshll.u32 s8, $0x1;
	[smem:$0x7FF] =	sst s4;
	s22 =	smul.u32 $0x19500, s8  }
0x9: {  	s8 =	simm.s32 $0xEB60;
	s3 =	sor.u32 s1, s3;
	s7 =	smul.u32 $0xA0, s1  }
0xa: {  	_ =	strace $0x80000047;
	s5 =	ssub.s32 $0x2, s1;
	s19 =	smul.u32 $0xA0, s3  }
0xb: {  	s1 =	smul.u32 $0xCA80, s1;
	s3 =	sadd.s32 $0x241A00, s0;
	s20 =	sshrl.u32 s5, $0x1  }
0xc: {  	s26 =	sadd.s32 s22, s2;
	s2 =	simm.s32 $0x109C0;
	s4 =	sshrl.u32 s19, $0x3  }
0xd: {  	s28 =	sadd.s32 s7, s6;
	s6 =	simm.s32 $0xD720;
	s0 =	sadd.s32 s4, s0  }
0xe: {  	s7 =	simm.s32 $0xE140;
	[dreg:$0x8] =	wrdreg s28;
	s21 =	sadd.s32 $0x1600, s0  }
0xf: {  	s19 =	simm.s32 $0x13240;
	s23 =	sadd.s32 $0xE00, s0;
	[dreg:$0x3] =	wrdreg s21  }
0x10: {  	s4 =	ssub.s32 s5, s20;
	s24 =	sadd.s32 $0x1200, s0;
	[dreg:$0x4] =	wrdreg s23  }
.Ltmp0:
0x11: {  	s0 =	sadd.s32 $0xA00, s0;
	[dreg:$0x5] =	wrdreg s24;
	(pc) =	sbr.rel .LBB2_1-.Ltmp0, $4  }
0x12: {  	s5 =	simm.s32 $0xCD00;
	s25 =	smax.u32 s4, $0x1;
	[dreg:$0x6] =	wrdreg s0  }
0x13: {  	s20 =	simm.s32 $0x13C60;
	s4 =	simm.s32 $0xC2E0;
	[dreg:$0x7] =	wrdreg s25  }
0x14: {  	s0 =	sadd.s32 s1, s26;
	s1 =	simm.s32 $0x9040;
	s21 =	simm.s32 $0x1  }
0x15: {  	s23 =	simm.s32 $0x0;
	[dreg:$0x9] =	wrdreg s0;
	s0 =	simm.s32 $0x9A60  }
.LBB2_5:
0x16: {  	s23 =	rddreg [dreg:$0xa]  }
0x17: {  	s22 =	rddreg [dreg:$0x7];
	s23 =	sadd.s32 $0x1, s23  }
0x18: {  	p0 =	sne.s32 s23, s22  }
.Ltmp1:
0x19: {  	_ = 	snop;
	(pc) =	sbr.rel @!p0 .LBB2_6-.Ltmp1, $1  }
0x1a: {  	_ =	sdelay $0x3  }
.LBB2_1:
0x1b: {  	[dreg:$0xa] =	wrdreg s23  }
0x1c: {  	s22 =	simm.s32 $0x0;
	s26 =	rddreg [dreg:$0x3];
	s24 =	simm.s32 $0x2  }
0x1d: {  	[tilespmem:s22], [sflag:$0x2] =	stream.linear.gather [hbm4b:s26+s22], $0xA0, $0x38;
	[tilespmem:$0x14680] =	vst v63  }
0x1e: {  	_ =	swait.ge [sflag:s24], $0xA0  }
0x1f: {  	[sflag:s24] =	ssyncset.done $0x0  }
0x20: {  	s25 =	simm.s32 $0xA0;
	s28 =	rddreg [dreg:$0x4];
	[sflag:s24] =	ssyncadd.s32 $0xFFFFFF60  }
0x21: {  	[tilespmem:s25], [sflag:$0x2] =	stream.linear.gather [hbm4b:s28+s22], $0xA0, $0x38;
	[tilespmem:$0x14680] =	vst v63  }
0x22: {  	_ =	swait.ge [sflag:s24], $0xA0  }
0x23: {  	[sflag:s24] =	ssyncset.done $0x0  }
0x24: {  	s28 =	simm.s32 $0x140;
	s26 =	rddreg [dreg:$0x5];
	[sflag:s24] =	ssyncadd.s32 $0xFFFFFF60  }
0x25: {  	[tilespmem:s28], [sflag:$0x2] =	stream.linear.gather [hbm4b:s26+s22], $0xA0, $0x38;
	[tilespmem:$0x14680] =	vst v63  }
0x26: {  	_ =	swait.ge [sflag:s24], $0xA0  }
0x27: {  	s28 =	simm.s32 $0x1E0;
	[sflag:s24] =	ssyncset.done $0x0  }
.Ltmp2:
0x28: {  	s26 =	rddreg [dreg:$0x6];
	[sflag:s24] =	ssyncadd.s32 $0xFFFFFF60;
	(pc) =	sbr.rel .LBB2_2-.Ltmp2, $4  }
0x29: {  	[tilespmem:s28], [sflag:$0x2] =	stream.linear.gather [hbm4b:s26+s22], $0xA0, $0x38;
	[tilespmem:$0x14680] =	vst v63  }
0x2a: {  	_ =	swait.ge [sflag:s24], $0xA0  }
0x2b: {  	[sflag:s24] =	ssyncset.done $0x0;
	s22 =	rddreg [dreg:$0x9]  }
0x2c: {  	s23 =	rddreg [dreg:$0x8];
	[sflag:s24] =	ssyncadd.s32 $0xFFFFFF60;
	s24 =	simm.s32 $0x0  }
.LBB2_4:
0x2d: {  	s24 =	sadd.s32 $0x80, s24  }
0x2e: {  	p0 =	sne.s32 s24, $0x280  }
.Ltmp3:
0x2f: {  	_ = 	snop;
	(pc) =	sbr.rel @!p0 .LBB2_5-.Ltmp3, $2  }
0x30: {  	_ =	sdelay $0x2  }
0x31: {  	s23 =	sadd.s32 $0x20, s23;
	s22 =	sadd.s32 $0x2880, s22  }
.LBB2_2:
0x32: {  	p0 =	sgt.u32 s23, $0x1387  }
.Ltmp4:
0x33: {  	_ = 	snop;
	(pc) =	sbr.rel @p0 .LBB2_4-.Ltmp4, $1  }
0x34: {  	_ =	sdelay $0x3  }
0x35: {  	s25 =	sshra.s32 s24, $0x2  }
0x36: {  	v0 =	vld [tilespmem:s25+$0x0]  }
0x37: {  	v1 =	vld [tilespmem:s25+$0x1E0];
	_ =	sdelay $0x2  }
0x38: {  	v2 =	vld [tilespmem:s25+$0xA0]  }
0x39: {  	v0 =	vshll.u32 v0, $0x4  }
0x3a: {  	v0 =	vadd.s32 v0, v1  }
0x3b: {  	v60 =	vld [tilespmem:s25+$0x140];
	v0 =	vmul.u32 $0x18, v0;
	_ =	sdelay $0x1  }
0x3c: {  	v0 =	vadd.s32 v2, v0  }
0x3d: {  	v0 =	vmul.u32 $0x300, v0;
	_ =	sdelay $0x1  }
0x3e: {  	v1 =	vshll.u32 v60, $0x5;
	(v2sf) =	vpush v0, $0x0  }
0x3f: {  	(v2sf) =	vpush v1, $0x0;
	_ =	sdelay $0x2  }
0x40: {  	(v2sf) =	vpush v0, $0x1;
	_ =	sdelay $0x1  }
0x41: {  	(v2sf) =	vpush v1, $0x1;
	_ =	sdelay $0x2  }
0x42: {  	(v2sf) =	vpush v0, $0x2;
	_ =	sdelay $0x1  }
0x43: {  	(v2sf) =	vpush v1, $0x2;
	_ =	sdelay $0x2  }
0x44: {  	(v2sf) =	vpush v0, $0x3  }
0x45: {  	s26 =	spop (v2sf)  }
0x46: {  	v61 =	vld [tilespmem:s25+$0x10];
	(v2sf) =	vpush v1, $0x3;
	s28 =	spop (v2sf)  }
0x47: {  	v3 =	vld [tilespmem:s25+$0xB0];
	s26 =	sadd.s32 s28, s26  }
0x48: {  	v4 =	vld [tilespmem:s25+$0x150];
	s26 =	sshrl.u32 s26, $0x3  }
0x49: {  	v5 =	vld [tilespmem:s25+$0x1F0];
	(v2sf) =	vpush v0, $0x4;
	s28 =	simm.s32 $0x280;
	s25 =	sadd.s32 s3, s26;
	s26 =	spop (v2sf)  }
0x4a: {  	[tilespmem:s28], [sflag:$0x1] =	stream.strided.gather [hbm4b:s25+s15], $0xA20, s16, s15, $0x38;
	[tilespmem:$0x14680] =	vst v63  }
0x4b: {  	(v2sf) =	vpush v1, $0x4;
	s28 =	spop (v2sf)  }
0x4c: {  	s25 =	sadd.s32 s28, s26  }
0x4d: {  	s25 =	sshrl.u32 s25, $0x3  }
0x4e: {  	(v2sf) =	vpush v0, $0x5;
	s26 =	spop (v2sf);
	s28 =	simm.s32 $0xCA0;
	s25 =	sadd.s32 s3, s25  }
0x4f: {  	[tilespmem:s28], [sflag:$0x1] =	stream.strided.gather [hbm4b:s25+s15], $0xA20, s16, s15, $0x38;
	[tilespmem:$0x14680] =	vst v63  }
0x50: {  	(v2sf) =	vpush v1, $0x5;
	s28 =	spop (v2sf)  }
0x51: {  	s25 =	sadd.s32 s28, s26  }
0x52: {  	s25 =	sshrl.u32 s25, $0x3  }
0x53: {  	(v2sf) =	vpush v0, $0x6;
	s26 =	spop (v2sf);
	s28 =	simm.s32 $0x16C0;
	s25 =	sadd.s32 s3, s25  }
0x54: {  	[tilespmem:s28], [sflag:$0x1] =	stream.strided.gather [hbm4b:s25+s15], $0xA20, s16, s15, $0x38;
	[tilespmem:$0x14680] =	vst v63  }
0x55: {  	s28 =	spop (v2sf);
	(v2sf) =	vpush v1, $0x6  }
0x56: {  	s25 =	sadd.s32 s28, s26  }
0x57: {  	s25 =	sshrl.u32 s25, $0x3  }
0x58: {  	s26 =	spop (v2sf);
	(v2sf) =	vpush v0, $0x7;
	s28 =	simm.s32 $0x20E0;
	s25 =	sadd.s32 s3, s25  }
0x59: {  	[tilespmem:s28], [sflag:$0x1] =	stream.strided.gather [hbm4b:s25+s15], $0xA20, s16, s15, $0x38;
	[tilespmem:$0x14680] =	vst v63  }
0x5a: {  	s28 =	spop (v2sf);
	(v2sf) =	vpush v1, $0x7  }
0x5b: {  	s25 =	sadd.s32 s28, s26  }
0x5c: {  	s25 =	sshrl.u32 s25, $0x3  }
0x5d: {  	s26 =	spop (v2sf);
	(v2sf) =	vpush v0, $0x8;
	s28 =	simm.s32 $0x2B00;
	s25 =	sadd.s32 s3, s25  }
0x5e: {  	[tilespmem:s28], [sflag:$0x1] =	stream.strided.gather [hbm4b:s25+s15], $0xA20, s16, s15, $0x38;
	[tilespmem:$0x14680] =	vst v63  }
0x5f: {  	s28 =	spop (v2sf);
	(v2sf) =	vpush v1, $0x8  }
0x60: {  	s25 =	sadd.s32 s28, s26  }
0x61: {  	s25 =	sshrl.u32 s25, $0x3  }
0x62: {  	s26 =	spop (v2sf);
	(v2sf) =	vpush v0, $0x9;
	s28 =	simm.s32 $0x3520;
	s25 =	sadd.s32 s3, s25  }
0x63: {  	[tilespmem:s28], [sflag:$0x1] =	stream.strided.gather [hbm4b:s25+s15], $0xA20, s16, s15, $0x38;
	[tilespmem:$0x14680] =	vst v63  }
0x64: {  	s28 =	spop (v2sf);
	(v2sf) =	vpush v1, $0x9  }
0x65: {  	s25 =	sadd.s32 s28, s26  }
0x66: {  	s25 =	sshrl.u32 s25, $0x3  }
0x67: {  	s26 =	spop (v2sf);
	(v2sf) =	vpush v0, $0xA;
	s28 =	simm.s32 $0x3F40;
	s25 =	sadd.s32 s3, s25  }
0x68: {  	[tilespmem:s28], [sflag:$0x1] =	stream.strided.gather [hbm4b:s25+s15], $0xA20, s16, s15, $0x38;
	[tilespmem:$0x14680] =	vst v63  }
0x69: {  	s28 =	spop (v2sf);
	(v2sf) =	vpush v1, $0xA  }
0x6a: {  	s25 =	sadd.s32 s28, s26  }
0x6b: {  	s25 =	sshrl.u32 s25, $0x3  }
0x6c: {  	s26 =	spop (v2sf);
	(v2sf) =	vpush v0, $0xB;
	s28 =	simm.s32 $0x4960;
	s25 =	sadd.s32 s3, s25  }
0x6d: {  	[tilespmem:s28], [sflag:$0x1] =	stream.strided.gather [hbm4b:s25+s15], $0xA20, s16, s15, $0x38;
	[tilespmem:$0x14680] =	vst v63  }
0x6e: {  	s28 =	spop (v2sf);
	(v2sf) =	vpush v1, $0xB  }
0x6f: {  	s25 =	sadd.s32 s28, s26  }
0x70: {  	s25 =	sshrl.u32 s25, $0x3  }
0x71: {  	s26 =	spop (v2sf);
	(v2sf) =	vpush v0, $0xC;
	s28 =	simm.s32 $0x5380;
	s25 =	sadd.s32 s3, s25  }
0x72: {  	[tilespmem:s28], [sflag:$0x1] =	stream.strided.gather [hbm4b:s25+s15], $0xA20, s16, s15, $0x38;
	[tilespmem:$0x14680] =	vst v63  }
0x73: {  	s28 =	spop (v2sf);
	(v2sf) =	vpush v1, $0xC  }
0x74: {  	s25 =	sadd.s32 s28, s26  }
0x75: {  	s25 =	sshrl.u32 s25, $0x3  }
0x76: {  	s26 =	spop (v2sf);
	(v2sf) =	vpush v0, $0xD;
	s28 =	simm.s32 $0x5DA0;
	s25 =	sadd.s32 s3, s25  }
0x77: {  	[tilespmem:s28], [sflag:$0x1] =	stream.strided.gather [hbm4b:s25+s15], $0xA20, s16, s15, $0x38;
	[tilespmem:$0x14680] =	vst v63  }
0x78: {  	s28 =	spop (v2sf);
	(v2sf) =	vpush v1, $0xD  }
0x79: {  	s25 =	sadd.s32 s28, s26  }
0x7a: {  	s25 =	sshrl.u32 s25, $0x3  }
0x7b: {  	s26 =	spop (v2sf);
	(v2sf) =	vpush v0, $0xE;
	s28 =	simm.s32 $0x67C0;
	s25 =	sadd.s32 s3, s25  }
0x7c: {  	[tilespmem:s28], [sflag:$0x1] =	stream.strided.gather [hbm4b:s25+s15], $0xA20, s16, s15, $0x38;
	[tilespmem:$0x14680] =	vst v63  }
0x7d: {  	s28 =	spop (v2sf);
	(v2sf) =	vpush v1, $0xE  }
0x7e: {  	v2 =	vshll.u32 v61, $0x4;
	s25 =	sadd.s32 s28, s26  }
0x7f: {  	v2 =	vadd.s32 v2, v5;
	s25 =	sshrl.u32 s25, $0x3  }
0x80: {  	v2 =	vmul.u32 $0x18, v2;
	s26 =	spop (v2sf);
	(v2sf) =	vpush v0, $0xF;
	s25 =	sadd.s32 s3, s25  }
0x81: {  	[tilespmem:s29], [sflag:$0x1] =	stream.strided.gather [hbm4b:s25+s15], $0xA20, s16, s15, $0x38;
	[tilespmem:$0x14680] =	vst v63  }
0x82: {  	v62 =	vadd.s32 v3, v2;
	s28 =	spop (v2sf);
	(v2sf) =	vpush v1, $0xF  }
0x83: {  	v0 =	vmul.u32 $0x300, v62;
	s25 =	sadd.s32 s28, s26  }
0x84: {  	s25 =	sshrl.u32 s25, $0x3  }
0x85: {  	s26 =	spop (v2sf);
	(v2sf) =	vpush v0, $0x0;
	s25 =	sadd.s32 s3, s25  }
0x86: {  	v63 =	vshll.u32 v4, $0x5;
	[tilespmem:s30], [sflag:$0x1] =	stream.strided.gather [hbm4b:s25+s15], $0xA20, s16, s15, $0x38;
	[tilespmem:$0x14680] =	vst v63  }
0x87: {  	s28 =	spop (v2sf);
	(v2sf) =	vpush v63, $0x0  }
0x88: {  	s25 =	sadd.s32 s28, s26  }
0x89: {  	s25 =	sshrl.u32 s25, $0x3  }
0x8a: {  	s26 =	spop (v2sf);
	(v2sf) =	vpush v0, $0x1;
	s25 =	sadd.s32 s3, s25  }
0x8b: {  	[tilespmem:s31], [sflag:$0x1] =	stream.strided.gather [hbm4b:s25+s15], $0xA20, s16, s15, $0x38;
	[tilespmem:$0x14680] =	vst v63  }
0x8c: {  	s28 =	spop (v2sf);
	(v2sf) =	vpush v63, $0x1  }
0x8d: {  	s25 =	sadd.s32 s28, s26  }
0x8e: {  	s25 =	sshrl.u32 s25, $0x3  }
0x8f: {  	s26 =	spop (v2sf);
	(v2sf) =	vpush v0, $0x2;
	s25 =	sadd.s32 s3, s25  }
0x90: {  	[tilespmem:s1], [sflag:$0x1] =	stream.strided.gather [hbm4b:s25+s15], $0xA20, s16, s15, $0x38;
	[tilespmem:$0x14680] =	vst v63  }
0x91: {  	s28 =	spop (v2sf);
	(v2sf) =	vpush v63, $0x2  }
0x92: {  	s25 =	sadd.s32 s28, s26  }
0x93: {  	s25 =	sshrl.u32 s25, $0x3  }
0x94: {  	s26 =	spop (v2sf);
	(v2sf) =	vpush v0, $0x3;
	s25 =	sadd.s32 s3, s25  }
0x95: {  	[tilespmem:s0], [sflag:$0x1] =	stream.strided.gather [hbm4b:s25+s15], $0xA20, s16, s15, $0x38;
	[tilespmem:$0x14680] =	vst v63  }
0x96: {  	s28 =	spop (v2sf);
	(v2sf) =	vpush v63, $0x3  }
0x97: {  	s25 =	sadd.s32 s28, s26  }
0x98: {  	s25 =	sshrl.u32 s25, $0x3  }
0x99: {  	s26 =	spop (v2sf);
	(v2sf) =	vpush v0, $0x4;
	s25 =	sadd.s32 s3, s25  }
0x9a: {  	[tilespmem:s12], [sflag:$0x1] =	stream.strided.gather [hbm4b:s25+s15], $0xA20, s16, s15, $0x38;
	[tilespmem:$0x14680] =	vst v63  }
0x9b: {  	s28 =	spop (v2sf);
	(v2sf) =	vpush v63, $0x4  }
0x9c: {  	s25 =	sadd.s32 s28, s26  }
0x9d: {  	s25 =	sshrl.u32 s25, $0x3  }
0x9e: {  	s26 =	spop (v2sf);
	(v2sf) =	vpush v0, $0x5;
	s25 =	sadd.s32 s3, s25  }
0x9f: {  	[tilespmem:s13], [sflag:$0x1] =	stream.strided.gather [hbm4b:s25+s15], $0xA20, s16, s15, $0x38;
	[tilespmem:$0x14680] =	vst v63  }
0xa0: {  	s28 =	spop (v2sf);
	(v2sf) =	vpush v63, $0x5  }
0xa1: {  	s25 =	sadd.s32 s28, s26  }
0xa2: {  	s25 =	sshrl.u32 s25, $0x3  }
0xa3: {  	s26 =	spop (v2sf);
	(v2sf) =	vpush v0, $0x6;
	s25 =	sadd.s32 s3, s25  }
0xa4: {  	[tilespmem:s14], [sflag:$0x1] =	stream.strided.gather [hbm4b:s25+s15], $0xA20, s16, s15, $0x38;
	[tilespmem:$0x14680] =	vst v63  }
0xa5: {  	s28 =	spop (v2sf);
	(v2sf) =	vpush v63, $0x6  }
0xa6: {  	s25 =	sadd.s32 s28, s26  }
0xa7: {  	s25 =	sshrl.u32 s25, $0x3  }
0xa8: {  	s26 =	spop (v2sf);
	(v2sf) =	vpush v0, $0x7;
	s25 =	sadd.s32 s3, s25  }
0xa9: {  	[tilespmem:s4], [sflag:$0x1] =	stream.strided.gather [hbm4b:s25+s15], $0xA20, s16, s15, $0x38;
	[tilespmem:$0x14680] =	vst v63  }
0xaa: {  	s28 =	spop (v2sf);
	(v2sf) =	vpush v63, $0x7  }
0xab: {  	s25 =	sadd.s32 s28, s26  }
0xac: {  	s25 =	sshrl.u32 s25, $0x3  }
0xad: {  	s26 =	spop (v2sf);
	(v2sf) =	vpush v0, $0x8;
	s25 =	sadd.s32 s3, s25  }
0xae: {  	[tilespmem:s5], [sflag:$0x1] =	stream.strided.gather [hbm4b:s25+s15], $0xA20, s16, s15, $0x38;
	[tilespmem:$0x14680] =	vst v63  }
0xaf: {  	s28 =	spop (v2sf);
	(v2sf) =	vpush v63, $0x8  }
0xb0: {  	s25 =	sadd.s32 s28, s26  }
0xb1: {  	s25 =	sshrl.u32 s25, $0x3  }
0xb2: {  	s26 =	spop (v2sf);
	(v2sf) =	vpush v0, $0x9;
	s25 =	sadd.s32 s3, s25  }
0xb3: {  	[tilespmem:s6], [sflag:$0x1] =	stream.strided.gather [hbm4b:s25+s15], $0xA20, s16, s15, $0x38;
	[tilespmem:$0x14680] =	vst v63  }
0xb4: {  	s28 =	spop (v2sf);
	(v2sf) =	vpush v63, $0x9  }
0xb5: {  	s25 =	sadd.s32 s28, s26  }
0xb6: {  	s25 =	sshrl.u32 s25, $0x3  }
0xb7: {  	s26 =	spop (v2sf);
	(v2sf) =	vpush v0, $0xA;
	s25 =	sadd.s32 s3, s25  }
0xb8: {  	[tilespmem:s7], [sflag:$0x1] =	stream.strided.gather [hbm4b:s25+s15], $0xA20, s16, s15, $0x38;
	[tilespmem:$0x14680] =	vst v63  }
0xb9: {  	s28 =	spop (v2sf);
	(v2sf) =	vpush v63, $0xA  }
0xba: {  	s25 =	sadd.s32 s28, s26  }
0xbb: {  	s25 =	sshrl.u32 s25, $0x3  }
0xbc: {  	s26 =	spop (v2sf);
	(v2sf) =	vpush v0, $0xB;
	s25 =	sadd.s32 s3, s25  }
0xbd: {  	[tilespmem:s8], [sflag:$0x1] =	stream.strided.gather [hbm4b:s25+s15], $0xA20, s16, s15, $0x38;
	[tilespmem:$0x14680] =	vst v63  }
0xbe: {  	s28 =	spop (v2sf);
	(v2sf) =	vpush v63, $0xB  }
0xbf: {  	s25 =	sadd.s32 s28, s26  }
0xc0: {  	s25 =	sshrl.u32 s25, $0x3  }
0xc1: {  	s26 =	spop (v2sf);
	(v2sf) =	vpush v0, $0xC;
	s25 =	sadd.s32 s3, s25  }
0xc2: {  	[tilespmem:s9], [sflag:$0x1] =	stream.strided.gather [hbm4b:s25+s15], $0xA20, s16, s15, $0x38;
	[tilespmem:$0x14680] =	vst v63  }
0xc3: {  	s28 =	spop (v2sf);
	(v2sf) =	vpush v63, $0xC  }
0xc4: {  	s25 =	sadd.s32 s28, s26  }
0xc5: {  	s25 =	sshrl.u32 s25, $0x3  }
0xc6: {  	s26 =	spop (v2sf);
	(v2sf) =	vpush v0, $0xD;
	s25 =	sadd.s32 s3, s25  }
0xc7: {  	[tilespmem:s10], [sflag:$0x1] =	stream.strided.gather [hbm4b:s25+s15], $0xA20, s16, s15, $0x38;
	[tilespmem:$0x14680] =	vst v63  }
0xc8: {  	s28 =	spop (v2sf);
	(v2sf) =	vpush v63, $0xD  }
0xc9: {  	s25 =	sadd.s32 s28, s26  }
0xca: {  	s25 =	sshrl.u32 s25, $0x3  }
0xcb: {  	s26 =	spop (v2sf);
	(v2sf) =	vpush v0, $0xE;
	s25 =	sadd.s32 s3, s25  }
0xcc: {  	[tilespmem:s2], [sflag:$0x1] =	stream.strided.gather [hbm4b:s25+s15], $0xA20, s16, s15, $0x38;
	[tilespmem:$0x14680] =	vst v63  }
0xcd: {  	s28 =	spop (v2sf);
	(v2sf) =	vpush v63, $0xE  }
0xce: {  	s25 =	sadd.s32 s28, s26  }
0xcf: {  	s25 =	sshrl.u32 s25, $0x3  }
0xd0: {  	s26 =	spop (v2sf);
	(v2sf) =	vpush v0, $0xF;
	s25 =	sadd.s32 s3, s25  }
0xd1: {  	[tilespmem:s11], [sflag:$0x1] =	stream.strided.gather [hbm4b:s25+s15], $0xA20, s16, s15, $0x38;
	[tilespmem:$0x14680] =	vst v63  }
0xd2: {  	s28 =	spop (v2sf);
	(v2sf) =	vpush v63, $0xF  }
0xd3: {  	s25 =	sadd.s32 s28, s26  }
0xd4: {  	s25 =	sshrl.u32 s25, $0x3  }
0xd5: {  	s26 =	spop (v2sf);
	s25 =	sadd.s32 s3, s25  }
0xd6: {  	[tilespmem:s17], [sflag:$0x1] =	stream.strided.gather [hbm4b:s25+s15], $0xA20, s16, s15, $0x38;
	[tilespmem:$0x14680] =	vst v63  }
0xd7: {  	s28 =	spop (v2sf)  }
0xd8: {  	s25 =	sadd.s32 s28, s26  }
0xd9: {  	s25 =	sshrl.u32 s25, $0x3  }
0xda: {  	s26 =	spop (v2sf);
	s25 =	sadd.s32 s3, s25  }
0xdb: {  	[tilespmem:s18], [sflag:$0x1] =	stream.strided.gather [hbm4b:s25+s15], $0xA20, s16, s15, $0x38;
	[tilespmem:$0x14680] =	vst v63  }
0xdc: {  	s28 =	spop (v2sf)  }
0xdd: {  	s25 =	sadd.s32 s28, s26  }
0xde: {  	s25 =	sshrl.u32 s25, $0x3  }
0xdf: {  	s26 =	spop (v2sf);
	s25 =	sadd.s32 s3, s25  }
0xe0: {  	[tilespmem:s19], [sflag:$0x1] =	stream.strided.gather [hbm4b:s25+s15], $0xA20, s16, s15, $0x38;
	[tilespmem:$0x14680] =	vst v63  }
0xe1: {  	s28 =	spop (v2sf)  }
0xe2: {  	s25 =	sadd.s32 s28, s26  }
0xe3: {  	s25 =	sshrl.u32 s25, $0x3  }
0xe4: {  	s25 =	sadd.s32 s3, s25  }
0xe5: {  	[tilespmem:s20], [sflag:$0x1] =	stream.strided.gather [hbm4b:s25+s15], $0xA20, s16, s15, $0x38;
	[tilespmem:$0x14680] =	vst v63  }
0xe6: {  	_ =	swait.ge [sflag:s21], $0xA20  }
0xe7: {  	[sflag:s21] =	ssyncset.done $0x0  }
0xe8: {  	[sflag:s21] =	ssyncadd.s32 $0xFFFFF5E0  }
0xe9: {  	_ =	swait.ge [sflag:s21], $0xA20  }
0xea: {  	[sflag:s21] =	ssyncset.done $0x0  }
0xeb: {  	[sflag:s21] =	ssyncadd.s32 $0xFFFFF5E0  }
0xec: {  	_ =	swait.ge [sflag:s21], $0xA20  }
0xed: {  	[sflag:s21] =	ssyncset.done $0x0  }
0xee: {  	[sflag:s21] =	ssyncadd.s32 $0xFFFFF5E0  }
0xef: {  	_ =	swait.ge [sflag:s21], $0xA20  }
0xf0: {  	[sflag:s21] =	ssyncset.done $0x0  }
0xf1: {  	[sflag:s21] =	ssyncadd.s32 $0xFFFFF5E0  }
0xf2: {  	_ =	swait.ge [sflag:s21], $0xA20  }
0xf3: {  	[sflag:s21] =	ssyncset.done $0x0  }
0xf4: {  	[sflag:s21] =	ssyncadd.s32 $0xFFFFF5E0  }
0xf5: {  	_ =	swait.ge [sflag:s21], $0xA20  }
0xf6: {  	[sflag:s21] =	ssyncset.done $0x0  }
0xf7: {  	[sflag:s21] =	ssyncadd.s32 $0xFFFFF5E0  }
0xf8: {  	_ =	swait.ge [sflag:s21], $0xA20  }
0xf9: {  	[sflag:s21] =	ssyncset.done $0x0  }
0xfa: {  	[sflag:s21] =	ssyncadd.s32 $0xFFFFF5E0  }
0xfb: {  	_ =	swait.ge [sflag:s21], $0xA20  }
0xfc: {  	[sflag:s21] =	ssyncset.done $0x0  }
0xfd: {  	[sflag:s21] =	ssyncadd.s32 $0xFFFFF5E0  }
0xfe: {  	_ =	swait.ge [sflag:s21], $0xA20  }
0xff: {  	[sflag:s21] =	ssyncset.done $0x0  }
0x100: {  	[sflag:s21] =	ssyncadd.s32 $0xFFFFF5E0  }
0x101: {  	_ =	swait.ge [sflag:s21], $0xA20  }
0x102: {  	[sflag:s21] =	ssyncset.done $0x0  }
0x103: {  	[sflag:s21] =	ssyncadd.s32 $0xFFFFF5E0  }
0x104: {  	_ =	swait.ge [sflag:s21], $0xA20  }
0x105: {  	[sflag:s21] =	ssyncset.done $0x0  }
0x106: {  	[sflag:s21] =	ssyncadd.s32 $0xFFFFF5E0  }
0x107: {  	_ =	swait.ge [sflag:s21], $0xA20  }
0x108: {  	[sflag:s21] =	ssyncset.done $0x0  }
0x109: {  	[sflag:s21] =	ssyncadd.s32 $0xFFFFF5E0  }
0x10a: {  	_ =	swait.ge [sflag:s21], $0xA20  }
0x10b: {  	[sflag:s21] =	ssyncset.done $0x0  }
0x10c: {  	[sflag:s21] =	ssyncadd.s32 $0xFFFFF5E0  }
0x10d: {  	_ =	swait.ge [sflag:s21], $0xA20  }
0x10e: {  	[sflag:s21] =	ssyncset.done $0x0  }
0x10f: {  	[sflag:s21] =	ssyncadd.s32 $0xFFFFF5E0  }
0x110: {  	_ =	swait.ge [sflag:s21], $0xA20  }
0x111: {  	[sflag:s21] =	ssyncset.done $0x0  }
0x112: {  	[sflag:s21] =	ssyncadd.s32 $0xFFFFF5E0  }
0x113: {  	_ =	swait.ge [sflag:s21], $0xA20  }
0x114: {  	[sflag:s21] =	ssyncset.done $0x0  }
0x115: {  	[sflag:s21] =	ssyncadd.s32 $0xFFFFF5E0  }
0x116: {  	_ =	swait.ge [sflag:s21], $0xA20  }
0x117: {  	[sflag:s21] =	ssyncset.done $0x0  }
0x118: {  	[sflag:s21] =	ssyncadd.s32 $0xFFFFF5E0  }
0x119: {  	_ =	swait.ge [sflag:s21], $0xA20  }
0x11a: {  	[sflag:s21] =	ssyncset.done $0x0  }
0x11b: {  	[sflag:s21] =	ssyncadd.s32 $0xFFFFF5E0  }
0x11c: {  	_ =	swait.ge [sflag:s21], $0xA20  }
0x11d: {  	[sflag:s21] =	ssyncset.done $0x0  }
0x11e: {  	[sflag:s21] =	ssyncadd.s32 $0xFFFFF5E0  }
0x11f: {  	_ =	swait.ge [sflag:s21], $0xA20  }
0x120: {  	[sflag:s21] =	ssyncset.done $0x0  }
0x121: {  	[sflag:s21] =	ssyncadd.s32 $0xFFFFF5E0  }
0x122: {  	_ =	swait.ge [sflag:s21], $0xA20  }
0x123: {  	[sflag:s21] =	ssyncset.done $0x0  }
0x124: {  	[sflag:s21] =	ssyncadd.s32 $0xFFFFF5E0  }
0x125: {  	_ =	swait.ge [sflag:s21], $0xA20  }
0x126: {  	[sflag:s21] =	ssyncset.done $0x0  }
0x127: {  	[sflag:s21] =	ssyncadd.s32 $0xFFFFF5E0  }
0x128: {  	_ =	swait.ge [sflag:s21], $0xA20  }
0x129: {  	[sflag:s21] =	ssyncset.done $0x0  }
0x12a: {  	[sflag:s21] =	ssyncadd.s32 $0xFFFFF5E0  }
0x12b: {  	_ =	swait.ge [sflag:s21], $0xA20  }
0x12c: {  	[sflag:s21] =	ssyncset.done $0x0  }
0x12d: {  	[sflag:s21] =	ssyncadd.s32 $0xFFFFF5E0  }
0x12e: {  	_ =	swait.ge [sflag:s21], $0xA20  }
0x12f: {  	[sflag:s21] =	ssyncset.done $0x0  }
0x130: {  	[sflag:s21] =	ssyncadd.s32 $0xFFFFF5E0  }
0x131: {  	_ =	swait.ge [sflag:s21], $0xA20  }
0x132: {  	[sflag:s21] =	ssyncset.done $0x0  }
0x133: {  	[sflag:s21] =	ssyncadd.s32 $0xFFFFF5E0  }
0x134: {  	_ =	swait.ge [sflag:s21], $0xA20  }
0x135: {  	[sflag:s21] =	ssyncset.done $0x0  }
0x136: {  	[sflag:s21] =	ssyncadd.s32 $0xFFFFF5E0  }
0x137: {  	_ =	swait.ge [sflag:s21], $0xA20  }
0x138: {  	[sflag:s21] =	ssyncset.done $0x0  }
0x139: {  	[sflag:s21] =	ssyncadd.s32 $0xFFFFF5E0  }
0x13a: {  	_ =	swait.ge [sflag:s21], $0xA20  }
0x13b: {  	[sflag:s21] =	ssyncset.done $0x0  }
0x13c: {  	[sflag:s21] =	ssyncadd.s32 $0xFFFFF5E0  }
0x13d: {  	_ =	swait.ge [sflag:s21], $0xA20  }
0x13e: {  	[sflag:s21] =	ssyncset.done $0x0  }
0x13f: {  	[sflag:s21] =	ssyncadd.s32 $0xFFFFF5E0  }
0x140: {  	_ =	swait.ge [sflag:s21], $0xA20  }
0x141: {  	[sflag:s21] =	ssyncset.done $0x0  }
0x142: {  	[sflag:s21] =	ssyncadd.s32 $0xFFFFF5E0  }
0x143: {  	_ =	swait.ge [sflag:s21], $0xA20  }
0x144: {  	p0 =	sgt.u32 s23, $0x1368;
	[sflag:s21] =	ssyncset.done $0x0  }
0x145: {  	s26 =	simm.s32 @p0 $0x280;
	s25 =	simm.s32 @p0 $0x0;
	[sflag:s21] =	ssyncadd.s32 $0xFFFFF5E0  }
0x146: {  	[hbm4b:s22+s25] =	stream.linear.scatter @p0 [tilespmem:s26], [sflag:$0x2], $0x5100, $0x38;
	[tilespmem:$0x14680] =	vst v63  }
0x147: {  	s25 =	simm.s32 @p0 $0x2  }
0x148: {  	_ =	swait.ge @p0 [sflag:s25], $0x5100  }
0x149: {  	[sflag:s25] =	ssyncset.done @p0 $0x0  }
0x14a: {  	s26 =	simm.s32 @!p0 $0x280;
	[sflag:s25] =	ssyncadd.s32 @p0 $0xFFFFAF00;
	s25 =	simm.s32 @!p0 $0x0  }
0x14b: {  	[hbm4b:s22+s25] =	stream.linear.scatter @!p0 [tilespmem:s26], [sflag:$0x3], $0x14400, $0x38;
	[tilespmem:$0x14680] =	vst v63  }
.Ltmp5:
0x14c: {  	_ = 	snop;
	(pc) =	sbr.rel .LBB2_4-.Ltmp5, $4  }
0x14d: {  	s25 =	simm.s32 @!p0 $0x3  }
0x14e: {  	_ =	swait.ge @!p0 [sflag:s25], $0x14400  }
0x14f: {  	[sflag:s25] =	ssyncset.done @!p0 $0x0  }
0x150: {  	[sflag:s25] =	ssyncadd.s32 @!p0 $0xFFFEBC00  }
.LBB2_6:
0x151: {  	_ =	sfence.sel $0x180000  }
0x152: {  	[bflag:$0x0] =	sbarrier.arrive $0xFFFF  }
0x153: {  	_ =	strace $0x90000047  }
0x154: {  	s0 =	stileid.u32;
	[bflag:$0x2] =	sbarrier.arrive $0xFFFF  }
0x155: {  	p0 =	sne.s32 s0, $0x0;
	s0 =	rddreg [dreg:$0x2]  }
0x156: {  	s0 =	sadd.s32 @!p0 $0x100000, s0  }
0x157: {  	[sflag:s0] =	ssyncadd.tile.s32 @!p0 $0x1;
	_ =	shalt  }
.Lfunc_end2:
_tile_overlayer_lowered:
.L_overlay_start_2:
0x158: {  	(tag) =	ssettag $0x2  }
0x159: {  	s0 =	rddreg [dreg:$0x0];
	s2 =	stileid.u32  }
0x15a: {  	s1 =	rddreg [dreg:$0x1];
	p0 =	sne.s32 s2, $0x0  }
0x15b: {  	s3 =	rddreg [dreg:$0x2];
	[bflag:$0x3] =	sbarrier.arrive $0xFFFF;
	s2 =	simm.s32 @!p0 $0x1C02  }
0x15c: {  	[timem:s3], [sflag:s2] =	dma.local @!p0 [hbm:s0], s1  }
0x15d: {  	s0 =	simm.s32 @!p0 $0x2  }
0x15e: {  	_ =	swait.ge @!p0 [sflag:s0], s1  }
0x15f: {  	s1 =	ssub.s32 @!p0 $0x0, s1;
	[sflag:s0] =	ssyncset.done @!p0 $0x0  }
0x160: {  	[sflag:s0] =	ssyncadd.s32 @!p0 s1  }
0x161: {  	[bflag:$0x3] =	sbarrier.arrive $0xFFFF  }
0x162: {  	_ =	shalt  }

// kernel: sparse-core-data-format-call.cloned.1.call-start
scs
called_computation_lowered:
.L_overlay_start_0:
0x0: {  	s2 =	sld [smem:$0x3FD9]  }
0x1: {  	s3 =	sld [smem:$0x3FFE];
	_ =	sdelay $0x1  }
0x2: {  	s1 =	srdreg.scid  }
0x3: {  	s0 =	sand.u32 $0x1, s1  }
0x4: {  	s18 =	sshll.u32 s0, $0xA;
	s2 =	sadd.s32 s3, s2  }
0x5: {  	s2 =	sadd.s32 s2, s18  }
0x6: {  	[smem:$0x3FC6] =	sst s2  }
0x7: {  	_ = 	snop  }
0x8: {  	s2 =	sld [smem:$0x3FD0];
	(tm) =	ssettm $0x1  }
0x9: {  	s19 =	sld [smem:$0x3FFB];
	_ =	sdelay $0x3  }
0xa: {  	_ =	strace s19  }
0xb: {  	s3 =	sld [smem:$0x3FFC];
	_ =	sdelay $0x3  }
0xc: {  	_ =	strace s3  }
0xd: {  	s3 =	sld [smem:$0x3FFD];
	_ =	sdelay $0x3  }
0xe: {  	_ =	strace s3  }
0xf: {  	_ =	strace $0x8FFFFFFF  }
0x10: {  	s20 =	sld [smem:$0x3FDB];
	_ =	sdelay $0x1  }
0x11: {  	s4 =	simm.s32 $_scs_section_size  }
0x12: {  	s5 =	simm.s32 $_size__tile_overlayer_lowered;
	s6 =	simm.s32 $_tile_overlayer_lowered  }
0x13: {  	s23 =	simm.s32 $0x1BFF;
	s22 =	sshll.u32 s6, $0x1;
	s3 =	sadd.s32 s4, s20  }
0x14: {  	s7 =	simm.s32 $0x0;
	s21 =	sshll.u32 s5, $0x1;
	s5 =	sadd.s32 s22, s3  }
0x15: {  	[timem:s7], [sflag:s23] =	dma.local [hbm:s5], s21  }
0x16: {  	_ =	swait.ge [sflag:s23], s21  }
0x17: {  	s4 =	ssub.s32 $0x0, s21;
	[sflag:s23] =	ssyncset.done $0x0  }
0x18: {  	[sflag:s23] =	ssyncadd.s32 s4;
	_ =	sdelay $0x1  }
0x19: {  	s24 =	simm.s32 $0x1B8B  }
0x1a: {  	_ =	swait.ge [sflag:s24], $0x1  }
0x1b: {  	[sflag:s24] =	ssyncset.done $0x0  }
0x1c: {  	s26 =	simm.s32 $0x1B8E;
	s25 =	sld [smem:$0x3FFE];
	[sflag:s24] =	ssyncadd.s32 $0xFFFFFFFF  }
0x1d: {  	s27 =	simm.s32 $execute0_lowered;
	[smem:$0x3FD2] =	sst s26  }
0x1e: {  	s5 =	sshll.u32 s27, $0x1;
	_ =	strace $0x80000049;
	[dreg:$0x1] =	wrdreg $0xFFFFFFFF  }
0x1f: {  	s28 =	simm.s32 $_size_execute0_lowered;
	s3 =	sadd.s32 s3, s5;
	[dreg:$0x0] =	wrdreg $0x0  }
0x20: {  	s5 =	sshll.u32 s28, $0x1;
	[dreg:$0x2] =	wrdreg s3  }
0x21: {  	[dreg:$0x3] =	wrdreg s5  }
0x22: {  	[dreg:$0x4] =	wrdreg $0xC0  }
0x23: {  	_ =	task [dreg:s7], $0x5FFFF  }
0x24: {  	[dreg:$0x1] =	wrdreg $0xFFFFFFFF  }
0x25: {  	[dreg:$0x0] =	wrdreg $0x60  }
0x26: {  	[dreg:$0x2] =	wrdreg s25  }
0x27: {  	[dreg:$0x3] =	wrdreg s2  }
0x28: {  	[dreg:$0x4] =	wrdreg $0x9  }
0x29: {  	_ =	task.clear_ibuf [dreg:s7], $0x5FFFF;
	_ =	strace $0x90000049  }
0x2a: {  	s29 =	simm.s32 $0x9;
	_ =	strace $0x8000004B  }
0x2b: {  	_ =	swait.ge [sflag:s29], $0x1  }
0x2c: {  	[sflag:s29] =	ssyncadd.s32 $0xFFFFFFFF  }
0x2d: {  	_ =	strace $0x9000004B  }
0x2e: {  	_ =	sfence  }
0x2f: {  	s30 =	sld [smem:$0x0];
	_ =	sdelay $0x2  }
0x30: {  	s31 =	sshll.u32 s1, $0xD;
	s1 =	sshrl.u32 s1, $0x2  }
0x31: {  	s3 =	sand.u32 $0x4000, s31;
	s1 =	sadd.s32 s1, s30  }
0x32: {  	s0 =	sor.u32 s3, s0;
	s1 =	sshll.u32 s1, $0x11  }
0x33: {  	s0 =	sor.u32 s1, s0  }
0x34: {  	s0 =	sadd.s32 $0x8F2B, s0  }
0x35: {  	[sflag:s0] =	ssyncadd.remote.s32 $0x1  }
0x36: {  	_ =	sfence.sel $0xFFFF  }
0x37: {  	[dreg:$0x0] =	wrdreg $0xFFFFFFFF;
	(pc) =	sbr.abs _section_cstart, $3  }
0x38: {  	[dreg:$0x1] =	wrdreg $0xFFFFFFFF  }
0x39: {  	_ =	task.clear_ibuf [dreg:s7], $0x2FFFF;
	_ =	strace $0x9FFFFFFF  }
0x3a: {  	(tm) =	ssettm $0x7FFFFFFF  }
0x3b: {  	_ =	shalt  }
tec
execute0_lowered:
.L_overlay_start_1:
0x0: {  	(tag) =	ssettag $0x1  }
0x1: {  	s5 =	rddreg [dreg:$0x0]  }
0x2: {  	s0 =	srdreg.scid;
	s3 =	rddreg [dreg:$0x1]  }
0x3: {  	s31 =	simm.s32 $0x2;
	s13 =	simm.s32 $0x0;
	s1 =	sshll.u32 s0, $0x4  }
0x4: {  	p0 =	por $0x0, $0x0;
	s0 =	stileid.u32;
	s1 =	sand.u32 $0x10, s1  }
0x5: {  	s8 =	simm.s32 $0xA000;
	s14 =	simm.s32 $0x0;
	s1 =	sor.u32 s0, s1  }
0x6: {  	s15 =	simm.s32 $0x0;
	s9 =	simm.s32 $0x0;
	s2 =	sshll.u32 s1, $0x7  }
.Ltmp0:
0x7: {  	s10 =	simm.s32 $0x0;
	s4 =	ssub.s32 $0x1380, s2;
	(pc) =	sbr.rel .LBB1_1-.Ltmp0, $4  }
0x8: {  	s12 =	simm.s32 $0x0;
	s1 =	rddreg [dreg:$0x2];
	s6 =	sshrl.u32 s4, $0xC  }
0x9: {  	_ =	strace $0x8000004A;
	s4 =	simm.s32 $0x1;
	s7 =	smul.u32 $0x51, s6  }
0xa: {  	s5 =	sadd.s32 $0xA00, s5;
	s11 =	smov.u32 s2;
	[sflag:s4] =	ssyncpa.u1 $0x0  }
0xb: {  	[sflag:s31] =	ssyncpa.u1 $0x0;
	s6 =	sadd.s32 $0x51, s7;
	s7 =	sadd.s32 $0x52, s7  }
.LBB1_5:
0xc: {  	s16 =	sadd.s32 $0x1, s9  }
0xd: {  	s13 =	simm.s32 $0x1;
	p2 =	sgt.s32 s16, $0x8  }
0xe: {  	s13 =	simm.s32 @!p2 $0x0  }
0xf: {  	s17 =	sadd.s32 s13, s10  }
0x10: {  	s19 =	smov.u32 s11;
	s13 =	sadd.s32 $0x1000, s11;
	p3 =	sgt.s32 s17, $0x8  }
0x11: {  	s19 =	smov.u32 @p3 s13  }
0x12: {  	p1 =	slt.u32 s12, $0x2;
	s16 =	simm.s32 @p2 $0x0;
	p2 =	sgt.s32 s19, $0x1387  }
0x13: {  	s18 =	simm.s32 @!p1 $0x2;
	s19 =	smov.u32 @p2 s2;
	p2 =	sne.s32 s12, s7  }
.Ltmp1:
0x14: {  	_ =	swait.ge @!p1 [sflag:s18], $0x1000;
	(pc) =	sbr.rel @!p2 .LBB1_6-.Ltmp1, $4  }
0x15: {  	s14 =	smov.u32 s10;
	[sflag:s18] =	ssyncset.done @!p1 $0x0  }
0x16: {  	s15 =	smov.u32 s11;
	p0 =	por !p0, !p0;
	[sflag:s18] =	ssyncadd.s32 @!p1 $0xFFFFF000  }
0x17: {  	s17 =	simm.s32 @p3 $0x0;
	s13 =	smov.u32 s9;
	s9 =	smov.u32 s16  }
0x18: {  	s10 =	smov.u32 s17;
	s12 =	sadd.s32 $0x1, s12;
	s11 =	smov.u32 s19  }
.LBB1_1:
0x19: {  	p1 =	sge.u32 s12, s6;
	s16 =	smov.u32 s11  }
0x1a: {  	s19 =	smov.u32 s10;
	p2 =	sgt.s32 @!p1 s11, $0x1308;
	s17 =	sxor.u32 @!p1 $0xFFFFFFFF, s12  }
0x1b: {  	s18 =	sshra.s32 @!p1 s11, $0x1F;
	s20 =	sshra.s32 @!p1 s10, $0x1F;
	p2 =	por !p2, p1  }
0x1c: {  	s18 =	sand.u32 @!p1 s18, s11;
	s16 =	simm.s32 @p2 $0x1308;
	p2 =	sgt.s32 @!p1 s10, $0x8  }
0x1d: {  	s20 =	sand.u32 @!p1 s20, s10;
	p2 =	por !p2, p1;
	s16 =	ssub.s32 @!p1 s16, s18  }
0x1e: {  	s19 =	simm.s32 @p2 $0x8;
	p2 =	sgt.s32 @!p1 s9, $0xF;
	s16 =	sadd.s32 @!p1 $0xFFFFECF8, s16  }
0x1f: {  	s18 =	ssub.s32 @!p1 s19, s20;
	p2 =	por !p2, p1;
	s20 =	smov.u32 s9  }
0x20: {  	s19 =	sadd.s32 @!p1 $0xFFFFFFF8, s18;
	s20 =	simm.s32 @p2 $0xF;
	p2 =	sgt.s32 @!p1 s16, $0x7F  }
0x21: {  	s16 =	sshll.u32 @!p1 s16, $0x5;
	p3 =	sgt.s32 @!p1 s19, $0x0;
	s19 =	sshra.s32 @!p1 s9, $0x1F  }
0x22: {  	s18 =	ssub.s32 @!p1 $0x9, s18;
	s16 =	ssub.s32 @!p1 $0x1000, s16;
	s19 =	sand.u32 @!p1 s19, s9  }
0x23: {  	p2 =	por !p2, p1;
	p3 =	por !p3, p1;
	s19 =	ssub.s32 @!p1 s20, s19  }
0x24: {  	s16 =	simm.s32 @!p2 $0x0;
	s18 =	simm.s32 @!p3 $0x0;
	s20 =	sadd.s32 @!p1 $0xFFFFFFF1, s19  }
0x25: {  	s17 =	sshll.u32 @!p1 s17, $0xC;
	s16 =	smul.u32 @!p1 s18, s16;
	p3 =	sgt.s32 @!p1 s20, $0x0  }
0x26: {  	s19 =	ssub.s32 @!p1 $0x10, s19;
	s18 =	smul.u32 @!p1 $0x900, s11;
	p2 =	por !p3, p1  }
0x27: {  	s17 =	sand.u32 @!p1 $0x1000, s17;
	s20 =	sshll.u32 @!p1 s9, $0x4;
	s19 =	simm.s32 @!p2 $0x0  }
0x28: {  	s18 =	sadd.s32 @!p1 s5, s18;
	s16 =	smul.u32 @!p1 s19, s16;
	s19 =	sshll.u32 @!p1 s10, $0x8  }
0x29: {  	s20 =	sand.u32 @!p1 $0xF0, s20;
	s18 =	sadd.s32 @!p1 s19, s18;
	s19 =	simm.s32 @!p1 $0x20  }
0x2a: {  	s16 =	sand.u32 @!p1 $0x3FFFFFE0, s16;
	s18 =	sadd.s32 @!p1 s20, s18;
	s20 =	simm.s32 @!p1 $0x4800  }
0x2b: {  	[tilespmem:s17], [sflag:$0x1] =	stream.strided.gather @!p1 [hbm4b:s18+s19], s16, s20, s19, $0x38;
	[tilespmem:$0x4040] =	vst v63  }
0x2c: {  	p1 =	seq.s32 s12, $0x0  }
0x2d: {  	p2 =	sge.u32 @!p1 s12, s7  }
0x2e: {  	p1 =	por p1, p2  }
.Ltmp2:
0x2f: {  	_ = 	snop;
	(pc) =	sbr.rel @p1 .LBB1_5-.Ltmp2, $1  }
0x30: {  	_ =	sdelay $0x3  }
0x31: {  	p1 =	sgt.s32 s15, $0x1308  }
0x32: {  	s16 =	smov.u32 s15;
	s17 =	sshra.s32 s15, $0x1F;
	s18 =	sshra.s32 s14, $0x1F  }
0x33: {  	p2 =	sgt.s32 s13, $0xF;
	s16 =	simm.s32 @!p1 $0x1308;
	s17 =	sand.u32 s17, s15  }
0x34: {  	s20 =	sshra.s32 s13, $0x1F;
	p1 =	sgt.s32 s14, $0x8;
	s16 =	ssub.s32 s16, s17  }
0x35: {  	s18 =	sand.u32 s18, s14;
	s17 =	smov.u32 s14;
	s16 =	sadd.s32 $0xFFFFECF8, s16  }
0x36: {  	s26 =	sand.u32 s20, s13;
	s17 =	simm.s32 @!p1 $0x8;
	p1 =	sgt.s32 s16, $0x7F  }
0x37: {  	s17 =	ssub.s32 s17, s18;
	s18 =	smov.u32 s13;
	s16 =	sshll.u32 s16, $0x5  }
0x38: {  	s19 =	sadd.s32 $0xFFFFFFF8, s17;
	s18 =	simm.s32 @!p2 $0xF;
	s17 =	ssub.s32 $0x9, s17  }
0x39: {  	s16 =	ssub.s32 $0x1000, s16;
	p2 =	sgt.s32 s19, $0x0;
	s18 =	ssub.s32 s18, s26  }
0x3a: {  	s16 =	simm.s32 @p1 $0x0;
	s17 =	simm.s32 @p2 $0x0;
	s19 =	sadd.s32 $0xFFFFFFF1, s18  }
0x3b: {  	s18 =	ssub.s32 $0x10, s18;
	p1 =	sgt.s32 s19, $0x0;
	s16 =	smul.u32 s17, s16  }
0x3c: {  	s18 =	simm.s32 @p1 $0x0  }
0x3d: {  	s16 =	smul.u32 s18, s16;
	_ =	sdelay $0x1  }
0x3e: {  	s17 =	simm.s32 $0x1;
	s16 =	sand.u32 $0x3FFFFFE0, s16  }
0x3f: {  	s17 =	simm.s32 @!p0 $0x0;
	_ =	swait.ge [sflag:s4], s16  }
0x40: {  	s27 =	sshll.u32 s17, $0xC;
	s16 =	ssub.s32 $0x0, s16;
	[sflag:s4] =	ssyncset.done $0x0  }
0x41: {  	s28 =	sor.u32 $0x10, s27;
	[sflag:s4] =	ssyncadd.s32 s16  }
0x42: {  	s29 =	smul.u32 $0x4080, s17;
	v1 =	vld [tilespmem:s28+$0x0]  }
0x43: {  	s30 =	sand.u32 $0x1, s12;
	v0 =	vld [tilespmem:s28+$0xFFFFFFF0]  }
0x44: {  	s17 =	smul.u32 $0x4080, s30;
	s16 =	sshrl.u32 s29, $0x2  }
0x45: {  	s18 =	sor.u32 $0x2000, s16  }
0x46: {  	s31 =	sshrl.u32 s17, $0x2;
	s17 =	sadd.s32 $0x0, s18  }
0x47: {  	s19 =	simm.s32 $0x4;
	s20 =	sadd.s32 $0x20, s28;
	s16 =	sor.u32 $0x2000, s31;
	[tilespmem:s17+$0x810 ss:$0x81] =	vst.msk $0xffff, v1  }
.LBB1_3:
0x48: {  	v1 =	vld [tilespmem:s20+$0x0];
	p1 =	sne.s32 s19, $0x1FC;
	[tilespmem:s17+$0x0 ss:$0x81] =	vst.msk $0xffff, v0;
	s17 =	smov.u32 s19;
	s19 =	sadd.s32 $0x4, s19  }
.Ltmp3:
0x49: {  	v0 =	vld [tilespmem:s20+$0xFFFFFFF0];
	(pc) =	sbr.rel @p1 .LBB1_3-.Ltmp3, $4  }
0x4a: {  	_ = 	snop  }
0x4b: {  	s17 =	sshra.s32 s17, $0x2  }
0x4c: {  	s17 =	sadd.s32 s17, s18  }
0x4d: {  	s20 =	sadd.s32 $0x20, s20;
	[tilespmem:s17+$0x810 ss:$0x81] =	vst.msk $0xffff, v1  }
0x4e: {  	s18 =	sshll.u32 s15, $0x3  }
0x4f: {  	s30 =	sand.u32 $0x7F, s15;
	s19 =	sand.u32 $0xFFFFFC00, s18  }
0x50: {  	s18 =	smulhi.u32 $0xCCCCCCCD, s18;
	s15 =	sor.u32 s30, s19  }
0x51: {  	s19 =	smulhi.u32 $0xCCCCCCCD, s15  }
0x52: {  	s14 =	smul.u32 $0x2D000, s14  }
0x53: {  	s13 =	smul.u32 $0x5000, s13;
	s18 =	sshrl.u32 s18, $0xC;
	s19 =	sshrl.u32 s19, $0xC  }
0x54: {  	s18 =	sand.u32 $0x1F, s18;
	s19 =	smul.u32 $0x1400, s19  }
0x55: {  	s18 =	smul.u32 $0x280, s18  }
.Ltmp4:
0x56: {  	s14 =	sadd.s32 s3, s14;
	s15 =	ssub.s32 s15, s19;
	(pc) =	sbr.rel .LBB1_5-.Ltmp4, $4  }
0x57: {  	s13 =	sadd.s32 s13, s14;
	s31 =	sand.u32 $0x7, s15  }
0x58: {  	s13 =	sadd.s32 s18, s13;
	s15 =	sshrl.u32 s15, $0x3;
	s14 =	sshll.u32 s31, $0x12  }
0x59: {  	[tilespmem:s17+$0x0 ss:$0x81] =	vst.msk $0xffff, v0;
	s13 =	sadd.s32 s15, s13;
	s14 =	sor.u32 $0x400, s14  }
0x5a: {  	[hbm4b:s13+s14] =	stream.strided.scatter [tilespmem:s16], [sflag:$0x2], $0x1000, s8, s14, $0x20;
	[tilespmem:$0x4040] =	vst v63  }
.LBB1_6:
0x5b: {  	_ =	sfence.sel $0x180000  }
0x5c: {  	s2 =	simm.s32 $0x1;
	[bflag:$0x0] =	sbarrier.arrive $0xFFFF  }
0x5d: {  	s31 =	simm.s32 $0x2;
	[sflag:s2] =	ssyncpa.u1 $0x1  }
0x5e: {  	[sflag:s31] =	ssyncpa.u1 $0x1  }
0x5f: {  	p0 =	sne.s32 s0, $0x0;
	_ =	strace $0x9000004A  }
0x60: {  	s0 =	sadd.s32 @!p0 $0x100000, s1;
	[bflag:$0x2] =	sbarrier.arrive $0xFFFF  }
0x61: {  	[sflag:s0] =	ssyncadd.tile.s32 @!p0 $0x1;
	_ =	shalt  }
.Lfunc_end1:
_tile_overlayer_lowered:
.L_overlay_start_2:
0x62: {  	(tag) =	ssettag $0x2  }
0x63: {  	s0 =	rddreg [dreg:$0x0];
	s2 =	stileid.u32  }
0x64: {  	s1 =	rddreg [dreg:$0x1];
	p0 =	sne.s32 s2, $0x0  }
0x65: {  	s3 =	rddreg [dreg:$0x2];
	[bflag:$0x3] =	sbarrier.arrive $0xFFFF;
	s2 =	simm.s32 @!p0 $0x1C01  }
0x66: {  	[timem:s3], [sflag:s2] =	dma.local @!p0 [hbm:s0], s1  }
0x67: {  	s0 =	simm.s32 @!p0 $0x1  }
0x68: {  	_ =	swait.ge @!p0 [sflag:s0], s1  }
0x69: {  	s1 =	ssub.s32 @!p0 $0x0, s1;
	[sflag:s0] =	ssyncset.done @!p0 $0x0  }
0x6a: {  	[sflag:s0] =	ssyncadd.s32 @!p0 s1  }
0x6b: {  	[bflag:$0x3] =	sbarrier.arrive $0xFFFF  }
0x6c: {  	_ =	shalt  }

</sc_bundles>
